<compile_context>
chip_gen: v7x
topology: tpu7x:2x2x1
jax: 0.10.2.dev20260603
libtpu: 0.0.44.dev20260713+nightly
codegen_flags: <defaults>
</compile_context>

<pallas_src>
import functools

import jax
import jax.numpy as jnp
from jax import lax
from jax.experimental import pallas as pl
from jax.experimental.pallas import tpu as pltpu
from jax.experimental.pallas import tpu_sc as plsc

VOCAB = 32
D = 256
NTOK = 64 * 2048
NC = 2
NS = 16
NW = NC * NS
B_PER_W = NTOK // NW
LANES = 16
SCALE = 16.0

_mesh = plsc.VectorSubcoreMesh(core_axis_name="c", subcore_axis_name="s")


@functools.partial(
    pl.kernel,
    out_type=jax.ShapeDtypeStruct((NTOK, D), jnp.float32),
    mesh=_mesh,
    scratch_types=dict(
        ltab=pltpu.VMEM((VOCAB, D), jnp.float32),
        idx_v=pltpu.VMEM((B_PER_W,), jnp.int32),
        s0=pltpu.SemaphoreType.DMA,
        s_idx=pltpu.SemaphoreType.DMA,
    ),
    compiler_params=pltpu.CompilerParams(needs_layout_passes=False),
)
def _emb_kernel(x_hbm, tabf_hbm, out_hbm, ltab, idx_v, s0, s_idx):
    c = lax.axis_index("c")
    s = lax.axis_index("s")
    wid = s * NC + c
    base = wid * B_PER_W

    idx_cp = pltpu.make_async_copy(
        x_hbm.at[pl.ds(base, B_PER_W)], idx_v, s_idx)
    idx_cp.start()
    pltpu.sync_copy(tabf_hbm, ltab)

    def scale_body(r, carry):
        def col_body(j, carry2):
            v = ltab[r, pl.ds(j * LANES, LANES)]
            ltab[r, pl.ds(j * LANES, LANES)] = v * SCALE
            return carry2
        return lax.fori_loop(0, D // LANES, col_body, carry)
    lax.fori_loop(0, VOCAB, scale_body, 0)
    idx_cp.wait()

    def group(gi, carry):
        rows = idx_v[pl.ds(gi * LANES, LANES)]
        for t in range(LANES):
            r = rows[t]
            pltpu.make_async_copy(
                ltab.at[r],
                out_hbm.at[base + gi * LANES + t],
                s0,
            ).start()
        return carry
    lax.fori_loop(0, B_PER_W // LANES, group, 0)

    pltpu.make_async_copy(
        out_hbm.at[pl.ds(0, B_PER_W)],
        out_hbm.at[pl.ds(base, B_PER_W)],
        s0,
    ).wait()


def kernel(x, table):
    b, sq = x.shape
    out = _emb_kernel(x.reshape(-1).astype(jnp.int32), table)
    return out.reshape(b, sq, D)

# --- scband reference (transcript-rebuilt; emitter-appended) ---
"""Pipeline reference for scband-ali-bi-embedder-84911503442278 (READ-ONLY COPY).

The authoritative reference and input builder live on the scoring server;
editing this copy changes nothing except your own understanding.
"""

import math
import jax, jax.numpy as jnp
import numpy as np

VOCAB = 32
EMBED_DIM = 256
BATCH = 64
SEQ = 2048


def setup_inputs(seed: int = 0) -> dict:
    key = jax.random.key(seed)
    k1, k2 = jax.random.split(key)
    x = jax.random.randint(k1, (BATCH, SEQ), 0, VOCAB)
    # learned embedding table (nn.Embedding default init ~ N(0,1))
    table = jax.random.normal(k2, (VOCAB, EMBED_DIM), dtype=jnp.float32)
    return {"x": x, "table": table}


def reference(x, table):
    # embedding lookup scaled by sqrt(embed_dim); dropout is identity in eval mode.
    # ALiBi biases are NOT applied in forward (they are consumed by attention layers).
    embedded = jnp.take(table, x, axis=0) * math.sqrt(EMBED_DIM)
    return embedded

if __name__ == "__main__":
    import jax
    _d = setup_inputs()
    print(jax.jit(kernel)(*tuple(_d.values())))

</pallas_src>

<mosaic_0001>
#map = affine_map<(d0, d1) -> (0)>
#map1 = affine_map<(d0, d1) -> (0, 0)>
module attributes {stable_mosaic.version = 14 : i64} {
  func.func @_emb_kernel(%arg0: i32, %arg1: i32, %arg2: memref<131072xi32, #tpu.memory_space<hbm>>, %arg3: memref<32x256xf32, #tpu.memory_space<hbm>>, %arg4: memref<131072x256xf32, #tpu.memory_space<hbm>>, %arg5: memref<4096xi32, #tpu.memory_space<vmem>>, %arg6: memref<32x256xf32, #tpu.memory_space<vmem>>, %arg7: memref<!tpu.dma_semaphore, #tpu.memory_space<semaphore_mem>>, %arg8: memref<!tpu.dma_semaphore, #tpu.memory_space<semaphore_mem>>) attributes {dimension_semantics = [#tpu.dimension_semantics<core_parallel>, #tpu.dimension_semantics<subcore_parallel>], iteration_bounds = array<i64: 2, 16>, scalar_prefetch = 0 : i64, scratch_operands = 4 : i64, tpu.core_type = #tpu.core_type<sc_vector_subcore>, window_params = [{transform_indices = #map}, {transform_indices = #map1}, {transform_indices = #map1}]} {
    %mul3A = arith.constant 2 : i32
    %mul3A_0 = arith.muli %arg1, %mul3A : i32
    %add3A = arith.addi %mul3A_0, %arg0 : i32
    %mul3A_1 = arith.constant 4096 : i32
    %mul3A_2 = arith.muli %add3A, %mul3A_1 : i32
    %dma_start3A = tpu.memref_slice %arg2[%mul3A_2] : memref<131072xi32, #tpu.memory_space<hbm>> -> memref<4096xi32, #tpu.memory_space<hbm>>
    %dma_start3A_3 = tpu.memref_slice %arg2[%mul3A_2] : memref<131072xi32, #tpu.memory_space<hbm>> -> memref<4096xi32, #tpu.memory_space<hbm>>
    tpu.enqueue_dma source(%dma_start3A_3 : memref<4096xi32, #tpu.memory_space<hbm>>) target(%arg5 : memref<4096xi32, #tpu.memory_space<vmem>>) target_semaphore(%arg8 : memref<!tpu.dma_semaphore, #tpu.memory_space<semaphore_mem>>)
    "tpu.region"() ({
      %run_scoped3A = tpu.sem_alloc : memref<!tpu.dma_semaphore, #tpu.memory_space<semaphore_mem>>
      tpu.enqueue_dma source(%arg3 : memref<32x256xf32, #tpu.memory_space<hbm>>) target(%arg6 : memref<32x256xf32, #tpu.memory_space<vmem>>) target_semaphore(%run_scoped3A : memref<!tpu.dma_semaphore, #tpu.memory_space<semaphore_mem>>)
      tpu.wait_dma2 semaphore(%run_scoped3A : memref<!tpu.dma_semaphore, #tpu.memory_space<semaphore_mem>>) src(%arg3 : memref<32x256xf32, #tpu.memory_space<hbm>>) dst(%arg6 : memref<32x256xf32, #tpu.memory_space<vmem>>)
      tpu.yield
    }) : () -> ()
    %scan3A = arith.constant 0 : i32
    %scan3A_4 = arith.constant 0 : i32
    %scan3A_5 = arith.constant 32 : i32
    %scan3A_6 = arith.addi %scan3A_4, %scan3A_5 : i32
    %scan3A_7 = arith.constant 1 : i32
    scf.for %scan3A_21 = %scan3A_4 to %scan3A_6 step %scan3A_7  : i32 {
      %scan3A_22 = arith.constant 0 : i32
      %scan3A_23 = arith.constant 16 : i32
      %scan3A_24 = arith.addi %scan3A_22, %scan3A_23 : i32
      %scan3A_25 = arith.constant 1 : i32
      scf.for %scan3A_27 = %scan3A_22 to %scan3A_24 step %scan3A_25  : i32 {
        %mul3A_28 = arith.constant 16 : i32
        %mul3A_29 = arith.muli %scan3A_27, %mul3A_28 : i32
        %get3A = arith.index_cast %scan3A_21 : i32 to index
        %get3A_30 = arith.index_cast %mul3A_29 : i32 to index
        %get3A_31 = tpu.vector_load %arg6[%get3A, %get3A_30] {strides = array<i32>} : memref<32x256xf32, #tpu.memory_space<vmem>>, vector<16xf32>,
        %mul3A_32 = arith.constant 1.600000e+01 : f32
        %mul3A_33 = vector.broadcast %mul3A_32 : f32 to vector<16xf32>
        %mul3A_34 = arith.mulf %get3A_31, %mul3A_33 : vector<16xf32>
        %mul3A_35 = arith.constant 16 : i32
        %mul3A_36 = arith.muli %scan3A_27, %mul3A_35 : i32
        %swap3A = arith.index_cast %scan3A_21 : i32 to index
        %swap3A_37 = arith.index_cast %mul3A_36 : i32 to index
        %swap3A_38 = tpu.vector_load %arg6[%swap3A, %swap3A_37] {strides = array<i32>} : memref<32x256xf32, #tpu.memory_space<vmem>>, vector<16xf32>,
        tpu.vector_store %arg6[%swap3A, %swap3A_37], %mul3A_34 {strides = array<i32>} : memref<32x256xf32, #tpu.memory_space<vmem>>, vector<16xf32>,
      }
      %scan3A_26 = arith.constant 16 : i32
    }
    %scan3A_8 = arith.constant 32 : i32
    %dma_wait3A = tpu.memref_slice %arg2[%mul3A_2] : memref<131072xi32, #tpu.memory_space<hbm>> -> memref<4096xi32, #tpu.memory_space<hbm>>
    %dma_wait3A_9 = tpu.memref_slice %arg2[%mul3A_2] : memref<131072xi32, #tpu.memory_space<hbm>> -> memref<4096xi32, #tpu.memory_space<hbm>>
    tpu.wait_dma2 semaphore(%arg8 : memref<!tpu.dma_semaphore, #tpu.memory_space<semaphore_mem>>) src(%dma_wait3A_9 : memref<4096xi32, #tpu.memory_space<hbm>>) dst(%arg5 : memref<4096xi32, #tpu.memory_space<vmem>>)
    %scan3A_10 = arith.constant 0 : i32
    %scan3A_11 = arith.constant 0 : i32
    %scan3A_12 = arith.constant 256 : i32
    %scan3A_13 = arith.addi %scan3A_11, %scan3A_12 : i32
    %scan3A_14 = arith.constant 1 : i32
    scf.for %scan3A_21 = %scan3A_11 to %scan3A_13 step %scan3A_14  : i32 {
      %mul3A_22 = arith.constant 16 : i32
      %mul3A_23 = arith.muli %scan3A_21, %mul3A_22 : i32
      %get3A = arith.index_cast %mul3A_23 : i32 to index
      %get3A_24 = tpu.vector_load %arg5[%get3A] {strides = array<i32>} : memref<4096xi32, #tpu.memory_space<vmem>>, vector<16xi32>,
      %slice3A = vector.extract_strided_slice %get3A_24 {offsets = [0], sizes = [1], strides = [1]} : vector<16xi32> to vector<1xi32>
      %squeeze3A = vector.extract %slice3A[0] : i32 from vector<1xi32>
      %mul3A_25 = arith.constant 16 : i32
      %mul3A_26 = arith.muli %scan3A_21, %mul3A_25 : i32
      %add3A_27 = arith.addi %mul3A_2, %mul3A_26 : i32
      %add3A_28 = arith.constant 0 : i32
      %add3A_29 = arith.addi %add3A_27, %add3A_28 : i32
      %dma_start3A_30 = arith.constant 0 : i32
      %dma_start3A_31 = tpu.memref_slice %arg6[%squeeze3A, %dma_start3A_30] : memref<32x256xf32, #tpu.memory_space<vmem>> -> memref<1x256xf32, #tpu.memory_space<vmem>>
      %dma_start3A_32 = tpu.memref_squeeze %dma_start3A_31 : memref<1x256xf32, #tpu.memory_space<vmem>> -> memref<256xf32, #tpu.memory_space<vmem>>
      %dma_start3A_33 = arith.constant 0 : i32
      %dma_start3A_34 = tpu.memref_slice %arg4[%add3A_29, %dma_start3A_33] : memref<131072x256xf32, #tpu.memory_space<hbm>> -> memref<1x256xf32, #tpu.memory_space<hbm>>
      %dma_start3A_35 = tpu.memref_squeeze %dma_start3A_34 : memref<1x256xf32, #tpu.memory_space<hbm>> -> memref<256xf32, #tpu.memory_space<hbm>>
      %dma_start3A_36 = arith.constant 0 : i32
      %dma_start3A_37 = tpu.memref_slice %arg4[%add3A_29, %dma_start3A_36] : memref<131072x256xf32, #tpu.memory_space<hbm>> -> memref<1x256xf32, #tpu.memory_space<hbm>>
      %dma_start3A_38 = tpu.memref_squeeze %dma_start3A_37 : memref<1x256xf32, #tpu.memory_space<hbm>> -> memref<256xf32, #tpu.memory_space<hbm>>
      %dma_start3A_39 = arith.constant 0 : i32
      %dma_start3A_40 = tpu.memref_slice %arg6[%squeeze3A, %dma_start3A_39] : memref<32x256xf32, #tpu.memory_space<vmem>> -> memref<1x256xf32, #tpu.memory_space<vmem>>
      %dma_start3A_41 = tpu.memref_squeeze %dma_start3A_40 : memref<1x256xf32, #tpu.memory_space<vmem>> -> memref<256xf32, #tpu.memory_space<vmem>>
      tpu.enqueue_dma source(%dma_start3A_41 : memref<256xf32, #tpu.memory_space<vmem>>) target(%dma_start3A_38 : memref<256xf32, #tpu.memory_space<hbm>>) target_semaphore(%arg7 : memref<!tpu.dma_semaphore, #tpu.memory_space<semaphore_mem>>)
      %slice3A_42 = vector.extract_strided_slice %get3A_24 {offsets = [1], sizes = [1], strides = [1]} : vector<16xi32> to vector<1xi32>
      %squeeze3A_43 = vector.extract %slice3A_42[0] : i32 from vector<1xi32>
      %mul3A_44 = arith.constant 16 : i32
      %mul3A_45 = arith.muli %scan3A_21, %mul3A_44 : i32
      %add3A_46 = arith.addi %mul3A_2, %mul3A_45 : i32
      %add3A_47 = arith.constant 1 : i32
      %add3A_48 = arith.addi %add3A_46, %add3A_47 : i32
      %dma_start3A_49 = arith.constant 0 : i32
      %dma_start3A_50 = tpu.memref_slice %arg6[%squeeze3A_43, %dma_start3A_49] : memref<32x256xf32, #tpu.memory_space<vmem>> -> memref<1x256xf32, #tpu.memory_space<vmem>>
      %dma_start3A_51 = tpu.memref_squeeze %dma_start3A_50 : memref<1x256xf32, #tpu.memory_space<vmem>> -> memref<256xf32, #tpu.memory_space<vmem>>
      %dma_start3A_52 = arith.constant 0 : i32
      %dma_start3A_53 = tpu.memref_slice %arg4[%add3A_48, %dma_start3A_52] : memref<131072x256xf32, #tpu.memory_space<hbm>> -> memref<1x256xf32, #tpu.memory_space<hbm>>
      %dma_start3A_54 = tpu.memref_squeeze %dma_start3A_53 : memref<1x256xf32, #tpu.memory_space<hbm>> -> memref<256xf32, #tpu.memory_space<hbm>>
      %dma_start3A_55 = arith.constant 0 : i32
      %dma_start3A_56 = tpu.memref_slice %arg4[%add3A_48, %dma_start3A_55] : memref<131072x256xf32, #tpu.memory_space<hbm>> -> memref<1x256xf32, #tpu.memory_space<hbm>>
      %dma_start3A_57 = tpu.memref_squeeze %dma_start3A_56 : memref<1x256xf32, #tpu.memory_space<hbm>> -> memref<256xf32, #tpu.memory_space<hbm>>
      %dma_start3A_58 = arith.constant 0 : i32
      %dma_start3A_59 = tpu.memref_slice %arg6[%squeeze3A_43, %dma_start3A_58] : memref<32x256xf32, #tpu.memory_space<vmem>> -> memref<1x256xf32, #tpu.memory_space<vmem>>
      %dma_start3A_60 = tpu.memref_squeeze %dma_start3A_59 : memref<1x256xf32, #tpu.memory_space<vmem>> -> memref<256xf32, #tpu.memory_space<vmem>>
      tpu.enqueue_dma source(%dma_start3A_60 : memref<256xf32, #tpu.memory_space<vmem>>) target(%dma_start3A_57 : memref<256xf32, #tpu.memory_space<hbm>>) target_semaphore(%arg7 : memref<!tpu.dma_semaphore, #tpu.memory_space<semaphore_mem>>)
      %slice3A_61 = vector.extract_strided_slice %get3A_24 {offsets = [2], sizes = [1], strides = [1]} : vector<16xi32> to vector<1xi32>
      %squeeze3A_62 = vector.extract %slice3A_61[0] : i32 from vector<1xi32>
      %mul3A_63 = arith.constant 16 : i32
      %mul3A_64 = arith.muli %scan3A_21, %mul3A_63 : i32
      %add3A_65 = arith.addi %mul3A_2, %mul3A_64 : i32
      %add3A_66 = arith.constant 2 : i32
      %add3A_67 = arith.addi %add3A_65, %add3A_66 : i32
      %dma_start3A_68 = arith.constant 0 : i32
      %dma_start3A_69 = tpu.memref_slice %arg6[%squeeze3A_62, %dma_start3A_68] : memref<32x256xf32, #tpu.memory_space<vmem>> -> memref<1x256xf32, #tpu.memory_space<vmem>>
      %dma_start3A_70 = tpu.memref_squeeze %dma_start3A_69 : memref<1x256xf32, #tpu.memory_space<vmem>> -> memref<256xf32, #tpu.memory_space<vmem>>
      %dma_start3A_71 = arith.constant 0 : i32
      %dma_start3A_72 = tpu.memref_slice %arg4[%add3A_67, %dma_start3A_71] : memref<131072x256xf32, #tpu.memory_space<hbm>> -> memref<1x256xf32, #tpu.memory_space<hbm>>
      %dma_start3A_73 = tpu.memref_squeeze %dma_start3A_72 : memref<1x256xf32, #tpu.memory_space<hbm>> -> memref<256xf32, #tpu.memory_space<hbm>>
      %dma_start3A_74 = arith.constant 0 : i32
      %dma_start3A_75 = tpu.memref_slice %arg4[%add3A_67, %dma_start3A_74] : memref<131072x256xf32, #tpu.memory_space<hbm>> -> memref<1x256xf32, #tpu.memory_space<hbm>>
      %dma_start3A_76 = tpu.memref_squeeze %dma_start3A_75 : memref<1x256xf32, #tpu.memory_space<hbm>> -> memref<256xf32, #tpu.memory_space<hbm>>
      %dma_start3A_77 = arith.constant 0 : i32
      %dma_start3A_78 = tpu.memref_slice %arg6[%squeeze3A_62, %dma_start3A_77] : memref<32x256xf32, #tpu.memory_space<vmem>> -> memref<1x256xf32, #tpu.memory_space<vmem>>
      %dma_start3A_79 = tpu.memref_squeeze %dma_start3A_78 : memref<1x256xf32, #tpu.memory_space<vmem>> -> memref<256xf32, #tpu.memory_space<vmem>>
      tpu.enqueue_dma source(%dma_start3A_79 : memref<256xf32, #tpu.memory_space<vmem>>) target(%dma_start3A_76 : memref<256xf32, #tpu.memory_space<hbm>>) target_semaphore(%arg7 : memref<!tpu.dma_semaphore, #tpu.memory_space<semaphore_mem>>)
      %slice3A_80 = vector.extract_strided_slice %get3A_24 {offsets = [3], sizes = [1], strides = [1]} : vector<16xi32> to vector<1xi32>
      %squeeze3A_81 = vector.extract %slice3A_80[0] : i32 from vector<1xi32>
      %mul3A_82 = arith.constant 16 : i32
      %mul3A_83 = arith.muli %scan3A_21, %mul3A_82 : i32
      %add3A_84 = arith.addi %mul3A_2, %mul3A_83 : i32
      %add3A_85 = arith.constant 3 : i32
      %add3A_86 = arith.addi %add3A_84, %add3A_85 : i32
      %dma_start3A_87 = arith.constant 0 : i32
      %dma_start3A_88 = tpu.memref_slice %arg6[%squeeze3A_81, %dma_start3A_87] : memref<32x256xf32, #tpu.memory_space<vmem>> -> memref<1x256xf32, #tpu.memory_space<vmem>>
      %dma_start3A_89 = tpu.memref_squeeze %dma_start3A_88 : memref<1x256xf32, #tpu.memory_space<vmem>> -> memref<256xf32, #tpu.memory_space<vmem>>
      %dma_start3A_90 = arith.constant 0 : i32
      %dma_start3A_91 = tpu.memref_slice %arg4[%add3A_86, %dma_start3A_90] : memref<131072x256xf32, #tpu.memory_space<hbm>> -> memref<1x256xf32, #tpu.memory_space<hbm>>
      %dma_start3A_92 = tpu.memref_squeeze %dma_start3A_91 : memref<1x256xf32, #tpu.memory_space<hbm>> -> memref<256xf32, #tpu.memory_space<hbm>>
      %dma_start3A_93 = arith.constant 0 : i32
      %dma_start3A_94 = tpu.memref_slice %arg4[%add3A_86, %dma_start3A_93] : memref<131072x256xf32, #tpu.memory_space<hbm>> -> memref<1x256xf32, #tpu.memory_space<hbm>>
      %dma_start3A_95 = tpu.memref_squeeze %dma_start3A_94 : memref<1x256xf32, #tpu.memory_space<hbm>> -> memref<256xf32, #tpu.memory_space<hbm>>
      %dma_start3A_96 = arith.constant 0 : i32
      %dma_start3A_97 = tpu.memref_slice %arg6[%squeeze3A_81, %dma_start3A_96] : memref<32x256xf32, #tpu.memory_space<vmem>> -> memref<1x256xf32, #tpu.memory_space<vmem>>
      %dma_start3A_98 = tpu.memref_squeeze %dma_start3A_97 : memref<1x256xf32, #tpu.memory_space<vmem>> -> memref<256xf32, #tpu.memory_space<vmem>>
      tpu.enqueue_dma source(%dma_start3A_98 : memref<256xf32, #tpu.memory_space<vmem>>) target(%dma_start3A_95 : memref<256xf32, #tpu.memory_space<hbm>>) target_semaphore(%arg7 : memref<!tpu.dma_semaphore, #tpu.memory_space<semaphore_mem>>)
      %slice3A_99 = vector.extract_strided_slice %get3A_24 {offsets = [4], sizes = [1], strides = [1]} : vector<16xi32> to vector<1xi32>
      %squeeze3A_100 = vector.extract %slice3A_99[0] : i32 from vector<1xi32>
      %mul3A_101 = arith.constant 16 : i32
      %mul3A_102 = arith.muli %scan3A_21, %mul3A_101 : i32
      %add3A_103 = arith.addi %mul3A_2, %mul3A_102 : i32
      %add3A_104 = arith.constant 4 : i32
      %add3A_105 = arith.addi %add3A_103, %add3A_104 : i32
      %dma_start3A_106 = arith.constant 0 : i32
      %dma_start3A_107 = tpu.memref_slice %arg6[%squeeze3A_100, %dma_start3A_106] : memref<32x256xf32, #tpu.memory_space<vmem>> -> memref<1x256xf32, #tpu.memory_space<vmem>>
      %dma_start3A_108 = tpu.memref_squeeze %dma_start3A_107 : memref<1x256xf32, #tpu.memory_space<vmem>> -> memref<256xf32, #tpu.memory_space<vmem>>
      %dma_start3A_109 = arith.constant 0 : i32
      %dma_start3A_110 = tpu.memref_slice %arg4[%add3A_105, %dma_start3A_109] : memref<131072x256xf32, #tpu.memory_space<hbm>> -> memref<1x256xf32, #tpu.memory_space<hbm>>
      %dma_start3A_111 = tpu.memref_squeeze %dma_start3A_110 : memref<1x256xf32, #tpu.memory_space<hbm>> -> memref<256xf32, #tpu.memory_space<hbm>>
      %dma_start3A_112 = arith.constant 0 : i32
      %dma_start3A_113 = tpu.memref_slice %arg4[%add3A_105, %dma_start3A_112] : memref<131072x256xf32, #tpu.memory_space<hbm>> -> memref<1x256xf32, #tpu.memory_space<hbm>>
      %dma_start3A_114 = tpu.memref_squeeze %dma_start3A_113 : memref<1x256xf32, #tpu.memory_space<hbm>> -> memref<256xf32, #tpu.memory_space<hbm>>
      %dma_start3A_115 = arith.constant 0 : i32
      %dma_start3A_116 = tpu.memref_slice %arg6[%squeeze3A_100, %dma_start3A_115] : memref<32x256xf32, #tpu.memory_space<vmem>> -> memref<1x256xf32, #tpu.memory_space<vmem>>
      %dma_start3A_117 = tpu.memref_squeeze %dma_start3A_116 : memref<1x256xf32, #tpu.memory_space<vmem>> -> memref<256xf32, #tpu.memory_space<vmem>>
      tpu.enqueue_dma source(%dma_start3A_117 : memref<256xf32, #tpu.memory_space<vmem>>) target(%dma_start3A_114 : memref<256xf32, #tpu.memory_space<hbm>>) target_semaphore(%arg7 : memref<!tpu.dma_semaphore, #tpu.memory_space<semaphore_mem>>)
      %slice3A_118 = vector.extract_strided_slice %get3A_24 {offsets = [5], sizes = [1], strides = [1]} : vector<16xi32> to vector<1xi32>
      %squeeze3A_119 = vector.extract %slice3A_118[0] : i32 from vector<1xi32>
      %mul3A_120 = arith.constant 16 : i32
      %mul3A_121 = arith.muli %scan3A_21, %mul3A_120 : i32
      %add3A_122 = arith.addi %mul3A_2, %mul3A_121 : i32
      %add3A_123 = arith.constant 5 : i32
      %add3A_124 = arith.addi %add3A_122, %add3A_123 : i32
      %dma_start3A_125 = arith.constant 0 : i32
      %dma_start3A_126 = tpu.memref_slice %arg6[%squeeze3A_119, %dma_start3A_125] : memref<32x256xf32, #tpu.memory_space<vmem>> -> memref<1x256xf32, #tpu.memory_space<vmem>>
      %dma_start3A_127 = tpu.memref_squeeze %dma_start3A_126 : memref<1x256xf32, #tpu.memory_space<vmem>> -> memref<256xf32, #tpu.memory_space<vmem>>
      %dma_start3A_128 = arith.constant 0 : i32
      %dma_start3A_129 = tpu.memref_slice %arg4[%add3A_124, %dma_start3A_128] : memref<131072x256xf32, #tpu.memory_space<hbm>> -> memref<1x256xf32, #tpu.memory_space<hbm>>
      %dma_start3A_130 = tpu.memref_squeeze %dma_start3A_129 : memref<1x256xf32, #tpu.memory_space<hbm>> -> memref<256xf32, #tpu.memory_space<hbm>>
      %dma_start3A_131 = arith.constant 0 : i32
      %dma_start3A_132 = tpu.memref_slice %arg4[%add3A_124, %dma_start3A_131] : memref<131072x256xf32, #tpu.memory_space<hbm>> -> memref<1x256xf32, #tpu.memory_space<hbm>>
      %dma_start3A_133 = tpu.memref_squeeze %dma_start3A_132 : memref<1x256xf32, #tpu.memory_space<hbm>> -> memref<256xf32, #tpu.memory_space<hbm>>
      %dma_start3A_134 = arith.constant 0 : i32
      %dma_start3A_135 = tpu.memref_slice %arg6[%squeeze3A_119, %dma_start3A_134] : memref<32x256xf32, #tpu.memory_space<vmem>> -> memref<1x256xf32, #tpu.memory_space<vmem>>
      %dma_start3A_136 = tpu.memref_squeeze %dma_start3A_135 : memref<1x256xf32, #tpu.memory_space<vmem>> -> memref<256xf32, #tpu.memory_space<vmem>>
      tpu.enqueue_dma source(%dma_start3A_136 : memref<256xf32, #tpu.memory_space<vmem>>) target(%dma_start3A_133 : memref<256xf32, #tpu.memory_space<hbm>>) target_semaphore(%arg7 : memref<!tpu.dma_semaphore, #tpu.memory_space<semaphore_mem>>)
      %slice3A_137 = vector.extract_strided_slice %get3A_24 {offsets = [6], sizes = [1], strides = [1]} : vector<16xi32> to vector<1xi32>
      %squeeze3A_138 = vector.extract %slice3A_137[0] : i32 from vector<1xi32>
      %mul3A_139 = arith.constant 16 : i32
      %mul3A_140 = arith.muli %scan3A_21, %mul3A_139 : i32
      %add3A_141 = arith.addi %mul3A_2, %mul3A_140 : i32
      %add3A_142 = arith.constant 6 : i32
      %add3A_143 = arith.addi %add3A_141, %add3A_142 : i32
      %dma_start3A_144 = arith.constant 0 : i32
      %dma_start3A_145 = tpu.memref_slice %arg6[%squeeze3A_138, %dma_start3A_144] : memref<32x256xf32, #tpu.memory_space<vmem>> -> memref<1x256xf32, #tpu.memory_space<vmem>>
      %dma_start3A_146 = tpu.memref_squeeze %dma_start3A_145 : memref<1x256xf32, #tpu.memory_space<vmem>> -> memref<256xf32, #tpu.memory_space<vmem>>
      %dma_start3A_147 = arith.constant 0 : i32
      %dma_start3A_148 = tpu.memref_slice %arg4[%add3A_143, %dma_start3A_147] : memref<131072x256xf32, #tpu.memory_space<hbm>> -> memref<1x256xf32, #tpu.memory_space<hbm>>
      %dma_start3A_149 = tpu.memref_squeeze %dma_start3A_148 : memref<1x256xf32, #tpu.memory_space<hbm>> -> memref<256xf32, #tpu.memory_space<hbm>>
      %dma_start3A_150 = arith.constant 0 : i32
      %dma_start3A_151 = tpu.memref_slice %arg4[%add3A_143, %dma_start3A_150] : memref<131072x256xf32, #tpu.memory_space<hbm>> -> memref<1x256xf32, #tpu.memory_space<hbm>>
      %dma_start3A_152 = tpu.memref_squeeze %dma_start3A_151 : memref<1x256xf32, #tpu.memory_space<hbm>> -> memref<256xf32, #tpu.memory_space<hbm>>
      %dma_start3A_153 = arith.constant 0 : i32
      %dma_start3A_154 = tpu.memref_slice %arg6[%squeeze3A_138, %dma_start3A_153] : memref<32x256xf32, #tpu.memory_space<vmem>> -> memref<1x256xf32, #tpu.memory_space<vmem>>
      %dma_start3A_155 = tpu.memref_squeeze %dma_start3A_154 : memref<1x256xf32, #tpu.memory_space<vmem>> -> memref<256xf32, #tpu.memory_space<vmem>>
      tpu.enqueue_dma source(%dma_start3A_155 : memref<256xf32, #tpu.memory_space<vmem>>) target(%dma_start3A_152 : memref<256xf32, #tpu.memory_space<hbm>>) target_semaphore(%arg7 : memref<!tpu.dma_semaphore, #tpu.memory_space<semaphore_mem>>)
      %slice3A_156 = vector.extract_strided_slice %get3A_24 {offsets = [7], sizes = [1], strides = [1]} : vector<16xi32> to vector<1xi32>
      %squeeze3A_157 = vector.extract %slice3A_156[0] : i32 from vector<1xi32>
      %mul3A_158 = arith.constant 16 : i32
      %mul3A_159 = arith.muli %scan3A_21, %mul3A_158 : i32
      %add3A_160 = arith.addi %mul3A_2, %mul3A_159 : i32
      %add3A_161 = arith.constant 7 : i32
      %add3A_162 = arith.addi %add3A_160, %add3A_161 : i32
      %dma_start3A_163 = arith.constant 0 : i32
      %dma_start3A_164 = tpu.memref_slice %arg6[%squeeze3A_157, %dma_start3A_163] : memref<32x256xf32, #tpu.memory_space<vmem>> -> memref<1x256xf32, #tpu.memory_space<vmem>>
      %dma_start3A_165 = tpu.memref_squeeze %dma_start3A_164 : memref<1x256xf32, #tpu.memory_space<vmem>> -> memref<256xf32, #tpu.memory_space<vmem>>
      %dma_start3A_166 = arith.constant 0 : i32
      %dma_start3A_167 = tpu.memref_slice %arg4[%add3A_162, %dma_start3A_166] : memref<131072x256xf32, #tpu.memory_space<hbm>> -> memref<1x256xf32, #tpu.memory_space<hbm>>
      %dma_start3A_168 = tpu.memref_squeeze %dma_start3A_167 : memref<1x256xf32, #tpu.memory_space<hbm>> -> memref<256xf32, #tpu.memory_space<hbm>>
      %dma_start3A_169 = arith.constant 0 : i32
      %dma_start3A_170 = tpu.memref_slice %arg4[%add3A_162, %dma_start3A_169] : memref<131072x256xf32, #tpu.memory_space<hbm>> -> memref<1x256xf32, #tpu.memory_space<hbm>>
      %dma_start3A_171 = tpu.memref_squeeze %dma_start3A_170 : memref<1x256xf32, #tpu.memory_space<hbm>> -> memref<256xf32, #tpu.memory_space<hbm>>
      %dma_start3A_172 = arith.constant 0 : i32
      %dma_start3A_173 = tpu.memref_slice %arg6[%squeeze3A_157, %dma_start3A_172] : memref<32x256xf32, #tpu.memory_space<vmem>> -> memref<1x256xf32, #tpu.memory_space<vmem>>
      %dma_start3A_174 = tpu.memref_squeeze %dma_start3A_173 : memref<1x256xf32, #tpu.memory_space<vmem>> -> memref<256xf32, #tpu.memory_space<vmem>>
      tpu.enqueue_dma source(%dma_start3A_174 : memref<256xf32, #tpu.memory_space<vmem>>) target(%dma_start3A_171 : memref<256xf32, #tpu.memory_space<hbm>>) target_semaphore(%arg7 : memref<!tpu.dma_semaphore, #tpu.memory_space<semaphore_mem>>)
      %slice3A_175 = vector.extract_strided_slice %get3A_24 {offsets = [8], sizes = [1], strides = [1]} : vector<16xi32> to vector<1xi32>
      %squeeze3A_176 = vector.extract %slice3A_175[0] : i32 from vector<1xi32>
      %mul3A_177 = arith.constant 16 : i32
      %mul3A_178 = arith.muli %scan3A_21, %mul3A_177 : i32
      %add3A_179 = arith.addi %mul3A_2, %mul3A_178 : i32
      %add3A_180 = arith.constant 8 : i32
      %add3A_181 = arith.addi %add3A_179, %add3A_180 : i32
      %dma_start3A_182 = arith.constant 0 : i32
      %dma_start3A_183 = tpu.memref_slice %arg6[%squeeze3A_176, %dma_start3A_182] : memref<32x256xf32, #tpu.memory_space<vmem>> -> memref<1x256xf32, #tpu.memory_space<vmem>>
      %dma_start3A_184 = tpu.memref_squeeze %dma_start3A_183 : memref<1x256xf32, #tpu.memory_space<vmem>> -> memref<256xf32, #tpu.memory_space<vmem>>
      %dma_start3A_185 = arith.constant 0 : i32
      %dma_start3A_186 = tpu.memref_slice %arg4[%add3A_181, %dma_start3A_185] : memref<131072x256xf32, #tpu.memory_space<hbm>> -> memref<1x256xf32, #tpu.memory_space<hbm>>
      %dma_start3A_187 = tpu.memref_squeeze %dma_start3A_186 : memref<1x256xf32, #tpu.memory_space<hbm>> -> memref<256xf32, #tpu.memory_space<hbm>>
      %dma_start3A_188 = arith.constant 0 : i32
      %dma_start3A_189 = tpu.memref_slice %arg4[%add3A_181, %dma_start3A_188] : memref<131072x256xf32, #tpu.memory_space<hbm>> -> memref<1x256xf32, #tpu.memory_space<hbm>>
      %dma_start3A_190 = tpu.memref_squeeze %dma_start3A_189 : memref<1x256xf32, #tpu.memory_space<hbm>> -> memref<256xf32, #tpu.memory_space<hbm>>
      %dma_start3A_191 = arith.constant 0 : i32
      %dma_start3A_192 = tpu.memref_slice %arg6[%squeeze3A_176, %dma_start3A_191] : memref<32x256xf32, #tpu.memory_space<vmem>> -> memref<1x256xf32, #tpu.memory_space<vmem>>
      %dma_start3A_193 = tpu.memref_squeeze %dma_start3A_192 : memref<1x256xf32, #tpu.memory_space<vmem>> -> memref<256xf32, #tpu.memory_space<vmem>>
      tpu.enqueue_dma source(%dma_start3A_193 : memref<256xf32, #tpu.memory_space<vmem>>) target(%dma_start3A_190 : memref<256xf32, #tpu.memory_space<hbm>>) target_semaphore(%arg7 : memref<!tpu.dma_semaphore, #tpu.memory_space<semaphore_mem>>)
      %slice3A_194 = vector.extract_strided_slice %get3A_24 {offsets = [9], sizes = [1], strides = [1]} : vector<16xi32> to vector<1xi32>
      %squeeze3A_195 = vector.extract %slice3A_194[0] : i32 from vector<1xi32>
      %mul3A_196 = arith.constant 16 : i32
      %mul3A_197 = arith.muli %scan3A_21, %mul3A_196 : i32
      %add3A_198 = arith.addi %mul3A_2, %mul3A_197 : i32
      %add3A_199 = arith.constant 9 : i32
      %add3A_200 = arith.addi %add3A_198, %add3A_199 : i32
      %dma_start3A_201 = arith.constant 0 : i32
      %dma_start3A_202 = tpu.memref_slice %arg6[%squeeze3A_195, %dma_start3A_201] : memref<32x256xf32, #tpu.memory_space<vmem>> -> memref<1x256xf32, #tpu.memory_space<vmem>>
      %dma_start3A_203 = tpu.memref_squeeze %dma_start3A_202 : memref<1x256xf32, #tpu.memory_space<vmem>> -> memref<256xf32, #tpu.memory_space<vmem>>
      %dma_start3A_204 = arith.constant 0 : i32
      %dma_start3A_205 = tpu.memref_slice %arg4[%add3A_200, %dma_start3A_204] : memref<131072x256xf32, #tpu.memory_space<hbm>> -> memref<1x256xf32, #tpu.memory_space<hbm>>
      %dma_start3A_206 = tpu.memref_squeeze %dma_start3A_205 : memref<1x256xf32, #tpu.memory_space<hbm>> -> memref<256xf32, #tpu.memory_space<hbm>>
      %dma_start3A_207 = arith.constant 0 : i32
      %dma_start3A_208 = tpu.memref_slice %arg4[%add3A_200, %dma_start3A_207] : memref<131072x256xf32, #tpu.memory_space<hbm>> -> memref<1x256xf32, #tpu.memory_space<hbm>>
      %dma_start3A_209 = tpu.memref_squeeze %dma_start3A_208 : memref<1x256xf32, #tpu.memory_space<hbm>> -> memref<256xf32, #tpu.memory_space<hbm>>
      %dma_start3A_210 = arith.constant 0 : i32
      %dma_start3A_211 = tpu.memref_slice %arg6[%squeeze3A_195, %dma_start3A_210] : memref<32x256xf32, #tpu.memory_space<vmem>> -> memref<1x256xf32, #tpu.memory_space<vmem>>
      %dma_start3A_212 = tpu.memref_squeeze %dma_start3A_211 : memref<1x256xf32, #tpu.memory_space<vmem>> -> memref<256xf32, #tpu.memory_space<vmem>>
      tpu.enqueue_dma source(%dma_start3A_212 : memref<256xf32, #tpu.memory_space<vmem>>) target(%dma_start3A_209 : memref<256xf32, #tpu.memory_space<hbm>>) target_semaphore(%arg7 : memref<!tpu.dma_semaphore, #tpu.memory_space<semaphore_mem>>)
      %slice3A_213 = vector.extract_strided_slice %get3A_24 {offsets = [10], sizes = [1], strides = [1]} : vector<16xi32> to vector<1xi32>
      %squeeze3A_214 = vector.extract %slice3A_213[0] : i32 from vector<1xi32>
      %mul3A_215 = arith.constant 16 : i32
      %mul3A_216 = arith.muli %scan3A_21, %mul3A_215 : i32
      %add3A_217 = arith.addi %mul3A_2, %mul3A_216 : i32
      %add3A_218 = arith.constant 10 : i32
      %add3A_219 = arith.addi %add3A_217, %add3A_218 : i32
      %dma_start3A_220 = arith.constant 0 : i32
      %dma_start3A_221 = tpu.memref_slice %arg6[%squeeze3A_214, %dma_start3A_220] : memref<32x256xf32, #tpu.memory_space<vmem>> -> memref<1x256xf32, #tpu.memory_space<vmem>>
      %dma_start3A_222 = tpu.memref_squeeze %dma_start3A_221 : memref<1x256xf32, #tpu.memory_space<vmem>> -> memref<256xf32, #tpu.memory_space<vmem>>
      %dma_start3A_223 = arith.constant 0 : i32
      %dma_start3A_224 = tpu.memref_slice %arg4[%add3A_219, %dma_start3A_223] : memref<131072x256xf32, #tpu.memory_space<hbm>> -> memref<1x256xf32, #tpu.memory_space<hbm>>
      %dma_start3A_225 = tpu.memref_squeeze %dma_start3A_224 : memref<1x256xf32, #tpu.memory_space<hbm>> -> memref<256xf32, #tpu.memory_space<hbm>>
      %dma_start3A_226 = arith.constant 0 : i32
      %dma_start3A_227 = tpu.memref_slice %arg4[%add3A_219, %dma_start3A_226] : memref<131072x256xf32, #tpu.memory_space<hbm>> -> memref<1x256xf32, #tpu.memory_space<hbm>>
      %dma_start3A_228 = tpu.memref_squeeze %dma_start3A_227 : memref<1x256xf32, #tpu.memory_space<hbm>> -> memref<256xf32, #tpu.memory_space<hbm>>
      %dma_start3A_229 = arith.constant 0 : i32
      %dma_start3A_230 = tpu.memref_slice %arg6[%squeeze3A_214, %dma_start3A_229] : memref<32x256xf32, #tpu.memory_space<vmem>> -> memref<1x256xf32, #tpu.memory_space<vmem>>
      %dma_start3A_231 = tpu.memref_squeeze %dma_start3A_230 : memref<1x256xf32, #tpu.memory_space<vmem>> -> memref<256xf32, #tpu.memory_space<vmem>>
      tpu.enqueue_dma source(%dma_start3A_231 : memref<256xf32, #tpu.memory_space<vmem>>) target(%dma_start3A_228 : memref<256xf32, #tpu.memory_space<hbm>>) target_semaphore(%arg7 : memref<!tpu.dma_semaphore, #tpu.memory_space<semaphore_mem>>)
      %slice3A_232 = vector.extract_strided_slice %get3A_24 {offsets = [11], sizes = [1], strides = [1]} : vector<16xi32> to vector<1xi32>
      %squeeze3A_233 = vector.extract %slice3A_232[0] : i32 from vector<1xi32>
      %mul3A_234 = arith.constant 16 : i32
      %mul3A_235 = arith.muli %scan3A_21, %mul3A_234 : i32
      %add3A_236 = arith.addi %mul3A_2, %mul3A_235 : i32
      %add3A_237 = arith.constant 11 : i32
      %add3A_238 = arith.addi %add3A_236, %add3A_237 : i32
      %dma_start3A_239 = arith.constant 0 : i32
      %dma_start3A_240 = tpu.memref_slice %arg6[%squeeze3A_233, %dma_start3A_239] : memref<32x256xf32, #tpu.memory_space<vmem>> -> memref<1x256xf32, #tpu.memory_space<vmem>>
      %dma_start3A_241 = tpu.memref_squeeze %dma_start3A_240 : memref<1x256xf32, #tpu.memory_space<vmem>> -> memref<256xf32, #tpu.memory_space<vmem>>
      %dma_start3A_242 = arith.constant 0 : i32
      %dma_start3A_243 = tpu.memref_slice %arg4[%add3A_238, %dma_start3A_242] : memref<131072x256xf32, #tpu.memory_space<hbm>> -> memref<1x256xf32, #tpu.memory_space<hbm>>
      %dma_start3A_244 = tpu.memref_squeeze %dma_start3A_243 : memref<1x256xf32, #tpu.memory_space<hbm>> -> memref<256xf32, #tpu.memory_space<hbm>>
      %dma_start3A_245 = arith.constant 0 : i32
      %dma_start3A_246 = tpu.memref_slice %arg4[%add3A_238, %dma_start3A_245] : memref<131072x256xf32, #tpu.memory_space<hbm>> -> memref<1x256xf32, #tpu.memory_space<hbm>>
      %dma_start3A_247 = tpu.memref_squeeze %dma_start3A_246 : memref<1x256xf32, #tpu.memory_space<hbm>> -> memref<256xf32, #tpu.memory_space<hbm>>
      %dma_start3A_248 = arith.constant 0 : i32
      %dma_start3A_249 = tpu.memref_slice %arg6[%squeeze3A_233, %dma_start3A_248] : memref<32x256xf32, #tpu.memory_space<vmem>> -> memref<1x256xf32, #tpu.memory_space<vmem>>
      %dma_start3A_250 = tpu.memref_squeeze %dma_start3A_249 : memref<1x256xf32, #tpu.memory_space<vmem>> -> memref<256xf32, #tpu.memory_space<vmem>>
      tpu.enqueue_dma source(%dma_start3A_250 : memref<256xf32, #tpu.memory_space<vmem>>) target(%dma_start3A_247 : memref<256xf32, #tpu.memory_space<hbm>>) target_semaphore(%arg7 : memref<!tpu.dma_semaphore, #tpu.memory_space<semaphore_mem>>)
      %slice3A_251 = vector.extract_strided_slice %get3A_24 {offsets = [12], sizes = [1], strides = [1]} : vector<16xi32> to vector<1xi32>
      %squeeze3A_252 = vector.extract %slice3A_251[0] : i32 from vector<1xi32>
      %mul3A_253 = arith.constant 16 : i32
      %mul3A_254 = arith.muli %scan3A_21, %mul3A_253 : i32
      %add3A_255 = arith.addi %mul3A_2, %mul3A_254 : i32
      %add3A_256 = arith.constant 12 : i32
      %add3A_257 = arith.addi %add3A_255, %add3A_256 : i32
      %dma_start3A_258 = arith.constant 0 : i32
      %dma_start3A_259 = tpu.memref_slice %arg6[%squeeze3A_252, %dma_start3A_258] : memref<32x256xf32, #tpu.memory_space<vmem>> -> memref<1x256xf32, #tpu.memory_space<vmem>>
      %dma_start3A_260 = tpu.memref_squeeze %dma_start3A_259 : memref<1x256xf32, #tpu.memory_space<vmem>> -> memref<256xf32, #tpu.memory_space<vmem>>
      %dma_start3A_261 = arith.constant 0 : i32
      %dma_start3A_262 = tpu.memref_slice %arg4[%add3A_257, %dma_start3A_261] : memref<131072x256xf32, #tpu.memory_space<hbm>> -> memref<1x256xf32, #tpu.memory_space<hbm>>
      %dma_start3A_263 = tpu.memref_squeeze %dma_start3A_262 : memref<1x256xf32, #tpu.memory_space<hbm>> -> memref<256xf32, #tpu.memory_space<hbm>>
      %dma_start3A_264 = arith.constant 0 : i32
      %dma_start3A_265 = tpu.memref_slice %arg4[%add3A_257, %dma_start3A_264] : memref<131072x256xf32, #tpu.memory_space<hbm>> -> memref<1x256xf32, #tpu.memory_space<hbm>>
      %dma_start3A_266 = tpu.memref_squeeze %dma_start3A_265 : memref<1x256xf32, #tpu.memory_space<hbm>> -> memref<256xf32, #tpu.memory_space<hbm>>
      %dma_start3A_267 = arith.constant 0 : i32
      %dma_start3A_268 = tpu.memref_slice %arg6[%squeeze3A_252, %dma_start3A_267] : memref<32x256xf32, #tpu.memory_space<vmem>> -> memref<1x256xf32, #tpu.memory_space<vmem>>
      %dma_start3A_269 = tpu.memref_squeeze %dma_start3A_268 : memref<1x256xf32, #tpu.memory_space<vmem>> -> memref<256xf32, #tpu.memory_space<vmem>>
      tpu.enqueue_dma source(%dma_start3A_269 : memref<256xf32, #tpu.memory_space<vmem>>) target(%dma_start3A_266 : memref<256xf32, #tpu.memory_space<hbm>>) target_semaphore(%arg7 : memref<!tpu.dma_semaphore, #tpu.memory_space<semaphore_mem>>)
      %slice3A_270 = vector.extract_strided_slice %get3A_24 {offsets = [13], sizes = [1], strides = [1]} : vector<16xi32> to vector<1xi32>
      %squeeze3A_271 = vector.extract %slice3A_270[0] : i32 from vector<1xi32>
      %mul3A_272 = arith.constant 16 : i32
      %mul3A_273 = arith.muli %scan3A_21, %mul3A_272 : i32
      %add3A_274 = arith.addi %mul3A_2, %mul3A_273 : i32
      %add3A_275 = arith.constant 13 : i32
      %add3A_276 = arith.addi %add3A_274, %add3A_275 : i32
      %dma_start3A_277 = arith.constant 0 : i32
      %dma_start3A_278 = tpu.memref_slice %arg6[%squeeze3A_271, %dma_start3A_277] : memref<32x256xf32, #tpu.memory_space<vmem>> -> memref<1x256xf32, #tpu.memory_space<vmem>>
      %dma_start3A_279 = tpu.memref_squeeze %dma_start3A_278 : memref<1x256xf32, #tpu.memory_space<vmem>> -> memref<256xf32, #tpu.memory_space<vmem>>
      %dma_start3A_280 = arith.constant 0 : i32
      %dma_start3A_281 = tpu.memref_slice %arg4[%add3A_276, %dma_start3A_280] : memref<131072x256xf32, #tpu.memory_space<hbm>> -> memref<1x256xf32, #tpu.memory_space<hbm>>
      %dma_start3A_282 = tpu.memref_squeeze %dma_start3A_281 : memref<1x256xf32, #tpu.memory_space<hbm>> -> memref<256xf32, #tpu.memory_space<hbm>>
      %dma_start3A_283 = arith.constant 0 : i32
      %dma_start3A_284 = tpu.memref_slice %arg4[%add3A_276, %dma_start3A_283] : memref<131072x256xf32, #tpu.memory_space<hbm>> -> memref<1x256xf32, #tpu.memory_space<hbm>>
      %dma_start3A_285 = tpu.memref_squeeze %dma_start3A_284 : memref<1x256xf32, #tpu.memory_space<hbm>> -> memref<256xf32, #tpu.memory_space<hbm>>
      %dma_start3A_286 = arith.constant 0 : i32
      %dma_start3A_287 = tpu.memref_slice %arg6[%squeeze3A_271, %dma_start3A_286] : memref<32x256xf32, #tpu.memory_space<vmem>> -> memref<1x256xf32, #tpu.memory_space<vmem>>
      %dma_start3A_288 = tpu.memref_squeeze %dma_start3A_287 : memref<1x256xf32, #tpu.memory_space<vmem>> -> memref<256xf32, #tpu.memory_space<vmem>>
      tpu.enqueue_dma source(%dma_start3A_288 : memref<256xf32, #tpu.memory_space<vmem>>) target(%dma_start3A_285 : memref<256xf32, #tpu.memory_space<hbm>>) target_semaphore(%arg7 : memref<!tpu.dma_semaphore, #tpu.memory_space<semaphore_mem>>)
      %slice3A_289 = vector.extract_strided_slice %get3A_24 {offsets = [14], sizes = [1], strides = [1]} : vector<16xi32> to vector<1xi32>
      %squeeze3A_290 = vector.extract %slice3A_289[0] : i32 from vector<1xi32>
      %mul3A_291 = arith.constant 16 : i32
      %mul3A_292 = arith.muli %scan3A_21, %mul3A_291 : i32
      %add3A_293 = arith.addi %mul3A_2, %mul3A_292 : i32
      %add3A_294 = arith.constant 14 : i32
      %add3A_295 = arith.addi %add3A_293, %add3A_294 : i32
      %dma_start3A_296 = arith.constant 0 : i32
      %dma_start3A_297 = tpu.memref_slice %arg6[%squeeze3A_290, %dma_start3A_296] : memref<32x256xf32, #tpu.memory_space<vmem>> -> memref<1x256xf32, #tpu.memory_space<vmem>>
      %dma_start3A_298 = tpu.memref_squeeze %dma_start3A_297 : memref<1x256xf32, #tpu.memory_space<vmem>> -> memref<256xf32, #tpu.memory_space<vmem>>
      %dma_start3A_299 = arith.constant 0 : i32
      %dma_start3A_300 = tpu.memref_slice %arg4[%add3A_295, %dma_start3A_299] : memref<131072x256xf32, #tpu.memory_space<hbm>> -> memref<1x256xf32, #tpu.memory_space<hbm>>
      %dma_start3A_301 = tpu.memref_squeeze %dma_start3A_300 : memref<1x256xf32, #tpu.memory_space<hbm>> -> memref<256xf32, #tpu.memory_space<hbm>>
      %dma_start3A_302 = arith.constant 0 : i32
      %dma_start3A_303 = tpu.memref_slice %arg4[%add3A_295, %dma_start3A_302] : memref<131072x256xf32, #tpu.memory_space<hbm>> -> memref<1x256xf32, #tpu.memory_space<hbm>>
      %dma_start3A_304 = tpu.memref_squeeze %dma_start3A_303 : memref<1x256xf32, #tpu.memory_space<hbm>> -> memref<256xf32, #tpu.memory_space<hbm>>
      %dma_start3A_305 = arith.constant 0 : i32
      %dma_start3A_306 = tpu.memref_slice %arg6[%squeeze3A_290, %dma_start3A_305] : memref<32x256xf32, #tpu.memory_space<vmem>> -> memref<1x256xf32, #tpu.memory_space<vmem>>
      %dma_start3A_307 = tpu.memref_squeeze %dma_start3A_306 : memref<1x256xf32, #tpu.memory_space<vmem>> -> memref<256xf32, #tpu.memory_space<vmem>>
      tpu.enqueue_dma source(%dma_start3A_307 : memref<256xf32, #tpu.memory_space<vmem>>) target(%dma_start3A_304 : memref<256xf32, #tpu.memory_space<hbm>>) target_semaphore(%arg7 : memref<!tpu.dma_semaphore, #tpu.memory_space<semaphore_mem>>)
      %slice3A_308 = vector.extract_strided_slice %get3A_24 {offsets = [15], sizes = [1], strides = [1]} : vector<16xi32> to vector<1xi32>
      %squeeze3A_309 = vector.extract %slice3A_308[0] : i32 from vector<1xi32>
      %mul3A_310 = arith.constant 16 : i32
      %mul3A_311 = arith.muli %scan3A_21, %mul3A_310 : i32
      %add3A_312 = arith.addi %mul3A_2, %mul3A_311 : i32
      %add3A_313 = arith.constant 15 : i32
      %add3A_314 = arith.addi %add3A_312, %add3A_313 : i32
      %dma_start3A_315 = arith.constant 0 : i32
      %dma_start3A_316 = tpu.memref_slice %arg6[%squeeze3A_309, %dma_start3A_315] : memref<32x256xf32, #tpu.memory_space<vmem>> -> memref<1x256xf32, #tpu.memory_space<vmem>>
      %dma_start3A_317 = tpu.memref_squeeze %dma_start3A_316 : memref<1x256xf32, #tpu.memory_space<vmem>> -> memref<256xf32, #tpu.memory_space<vmem>>
      %dma_start3A_318 = arith.constant 0 : i32
      %dma_start3A_319 = tpu.memref_slice %arg4[%add3A_314, %dma_start3A_318] : memref<131072x256xf32, #tpu.memory_space<hbm>> -> memref<1x256xf32, #tpu.memory_space<hbm>>
      %dma_start3A_320 = tpu.memref_squeeze %dma_start3A_319 : memref<1x256xf32, #tpu.memory_space<hbm>> -> memref<256xf32, #tpu.memory_space<hbm>>
      %dma_start3A_321 = arith.constant 0 : i32
      %dma_start3A_322 = tpu.memref_slice %arg4[%add3A_314, %dma_start3A_321] : memref<131072x256xf32, #tpu.memory_space<hbm>> -> memref<1x256xf32, #tpu.memory_space<hbm>>
      %dma_start3A_323 = tpu.memref_squeeze %dma_start3A_322 : memref<1x256xf32, #tpu.memory_space<hbm>> -> memref<256xf32, #tpu.memory_space<hbm>>
      %dma_start3A_324 = arith.constant 0 : i32
      %dma_start3A_325 = tpu.memref_slice %arg6[%squeeze3A_309, %dma_start3A_324] : memref<32x256xf32, #tpu.memory_space<vmem>> -> memref<1x256xf32, #tpu.memory_space<vmem>>
      %dma_start3A_326 = tpu.memref_squeeze %dma_start3A_325 : memref<1x256xf32, #tpu.memory_space<vmem>> -> memref<256xf32, #tpu.memory_space<vmem>>
      tpu.enqueue_dma source(%dma_start3A_326 : memref<256xf32, #tpu.memory_space<vmem>>) target(%dma_start3A_323 : memref<256xf32, #tpu.memory_space<hbm>>) target_semaphore(%arg7 : memref<!tpu.dma_semaphore, #tpu.memory_space<semaphore_mem>>)
    }
    %scan3A_15 = arith.constant 256 : i32
    %dma_wait3A_16 = arith.constant 0 : i32
    %dma_wait3A_17 = tpu.memref_slice %arg4[%mul3A_2, %dma_wait3A_16] : memref<131072x256xf32, #tpu.memory_space<hbm>> -> memref<4096x256xf32, #tpu.memory_space<hbm>>
    %dma_wait3A_18 = arith.constant 0 : i32
    %dma_wait3A_19 = arith.constant 0 : i32
    %dma_wait3A_20 = tpu.memref_slice %arg4[%dma_wait3A_18, %dma_wait3A_19] : memref<131072x256xf32, #tpu.memory_space<hbm>> -> memref<4096x256xf32, #tpu.memory_space<hbm>>
    tpu.wait_dma2 semaphore(%arg7 : memref<!tpu.dma_semaphore, #tpu.memory_space<semaphore_mem>>) src(%dma_wait3A_20 : memref<4096x256xf32, #tpu.memory_space<hbm>>) dst(%dma_wait3A_17 : memref<4096x256xf32, #tpu.memory_space<hbm>>)
    return
  }
}

</mosaic_0001>

<sc_bundles>
// kernel: kernel.3.cloned.1.call-start
scs
__scs_entry_jumppad:
0x0: {  	(pc) =	sbr.rel $0x88, $3  }
0x1: {  	(tag) =	ssettag $0x0;
	lr =	simm.s32 $0x1  }
0x2: {  	[smem:$0x3F9F] =	sst lr;
	_ =	strace $0xD0000000  }
0x3: {  	_ = 	snop  }
0x4: {  	_ = 	snop  }
0x5: {  	_ = 	snop  }
0x6: {  	_ = 	snop  }
0x7: {  	_ = 	snop  }
__scs_overlays_trampoline_lowered:
0x8: {  	[smem:$0x3FAE] =	sst s0  }
0x9: {  	[smem:$0x3FAF] =	sst s1  }
0xa: {  	[smem:$0x3FB0] =	sst s2  }
0xb: {  	[smem:$0x3FB1] =	sst s3  }
0xc: {  	[smem:$0x3FB2] =	sst s4  }
0xd: {  	[smem:$0x3FB3] =	sst s5  }
0xe: {  	[smem:$0x3FB4] =	sst s6  }
0xf: {  	[smem:$0x3FB5] =	sst s7  }
0x10: {  	[smem:$0x3FB6] =	sst s8  }
0x11: {  	[smem:$0x3FB7] =	sst s9;
	s0 =	simm.s32 @!p0 $0x0  }
0x12: {  	s1 =	sld [smem:$0x3F9D];
	s0 =	simm.s32 @p0 $0x1  }
0x13: {  	[smem:$0x3FB8] =	sst s0;
	s0 =	simm.s32 @!p1 $0x0  }
0x14: {  	s2 =	sld [smem:$0x3F9C];
	s0 =	simm.s32 @p1 $0x1  }
0x15: {  	[smem:$0x3FB9] =	sst s0;
	s0 =	simm.s32 @!p2 $0x0  }
0x16: {  	s3 =	sld [smem:$0x3FDB];
	s0 =	simm.s32 @p2 $0x1  }
0x17: {  	s4 =	simm.s32 $0x1BF5;
	[smem:$0x3FBB] =	sst s0  }
0x18: {  	s0 =	sld [smem:$0x3F9E];
	_ =	swait.ge [sflag:s4], $0x0  }
0x19: {  	s7 =	sld [smem:$0x3F9F]  }
0x1a: {  	s8 =	sadd.s32 $0xFFFFE003, lr  }
0x1b: {  	s9 =	sadd.s32 $0xFFFFFEF7, lr;
	s5 =	simm.s32 $0xFFFFFFFF;
	p2 =	slt.u32 s8, $0xFFFFF086  }
0x1c: {  	p1 =	slt.u32 s9, $0xF7A;
	s5 =	simm.s32 @!p2 $0x0  }
0x1d: {  	s5 =	simm.s32 @p1 $0x1;
	p0 =	seq.s32 s7, s2  }
0x1e: {  	s7 =	smul.u32 @!p0 $0xF7A, s2;
	p2 =	seq.s32 @!p0 s5, $0x0  }
0x1f: {  	s9 =	smul.u32 $0xF7A, s1;
	s8 =	simm.s32 @!p0 $0x1BF5;
	p2 =	por !p2, p0  }
0x20: {  	[sflag:s8] =	ssyncset.s32 @!p0 $0xFFFFF086;
	s6 =	sadd.s32 @!p0 s3, s7;
	s7 =	simm.s32 @!p0 $0x108  }
0x21: {  	s3 =	sadd.s32 s3, s9;
	s6 =	sadd.s32 @!p0 $0x88, s6;
	s7 =	simm.s32 @p2 $0x1082  }
0x22: {  	[simem:s7], [sflag:s8] =	dma.local @!p0 [hbm:s6], $0xF7A  }
0x23: {  	s9 =	sor.u32 $0xD0000000, s2;
	s6 =	simm.s32 $0x108;
	_ =	swait.ge @!p0 [sflag:s8], $0x0  }
0x24: {  	s3 =	sadd.s32 $0x88, s3;
	s6 =	simm.s32 @!p1 $0x1082;
	[sflag:s4] =	ssyncset.s32 $0xFFFFF086  }
0x25: {  	[simem:s6], [sflag:s4] =	dma.local [hbm:s3], $0xF7A  }
0x26: {  	[smem:$0x3F9F] =	sst s1;
	(tag) =	ssettag s2;
	_ =	strace s9  }
0x27: {  	s1 =	sld [smem:$0x3FAF]  }
0x28: {  	s2 =	sld [smem:$0x3FB0]  }
0x29: {  	s4 =	sld [smem:$0x3FB2]  }
0x2a: {  	p0 =	seq.s32 s5, $0x0;
	s5 =	sld [smem:$0x3FB3]  }
0x2b: {  	s6 =	sld [smem:$0x3FB4]  }
0x2c: {  	s7 =	sld [smem:$0x3FB5]  }
0x2d: {  	s3 =	simm.s32 $0x108;
	s8 =	sld [smem:$0x3FB6]  }
0x2e: {  	s3 =	simm.s32 @!p0 $0x1082;
	s9 =	sld [smem:$0x3FB7]  }
0x2f: {  	lr =	sadd.s32 s0, s3;
	s0 =	sld [smem:$0x3FAE]  }
0x30: {  	s3 =	sld [smem:$0x3FB1]  }
0x31: {  	[smem:$0x3FBA] =	sst s10  }
0x32: {  	s10 =	sld [smem:$0x3FB8];
	_ =	sdelay $0x3  }
0x33: {  	p0 =	seq.s32 s10, $0x1;
	s10 =	sld [smem:$0x3FBA];
	_ =	sdelay $0x3  }
0x34: {  	[smem:$0x3FBA] =	sst s10  }
0x35: {  	s10 =	sld [smem:$0x3FB9];
	_ =	sdelay $0x3  }
0x36: {  	p1 =	seq.s32 s10, $0x1;
	s10 =	sld [smem:$0x3FBA];
	_ =	sdelay $0x3  }
0x37: {  	[smem:$0x3FBA] =	sst s10  }
0x38: {  	s10 =	sld [smem:$0x3FBB]  }
0x39: {  	_ = 	snop;
	(pc) =	sbr.ind lr, $3  }
0x3a: {  	_ = 	snop  }
0x3b: {  	_ = 	snop  }
0x3c: {  	p2 =	seq.s32 s10, $0x1;
	s10 =	sld [smem:$0x3FBA]  }
0x3d: {  	_ =	shalt  }
0x3e: {  	_ =	shalt  }
0x3f: {  	_ =	shalt  }
0x40: {  	_ =	shalt  }
0x41: {  	_ =	shalt  }
0x42: {  	_ =	shalt  }
0x43: {  	_ =	shalt  }
0x44: {  	_ =	shalt  }
0x45: {  	_ =	shalt  }
0x46: {  	_ =	shalt  }
0x47: {  	_ =	shalt  }
0x48: {  	_ =	shalt  }
0x49: {  	_ =	shalt  }
0x4a: {  	_ =	shalt  }
0x4b: {  	_ =	shalt  }
0x4c: {  	_ =	shalt  }
0x4d: {  	_ =	shalt  }
0x4e: {  	_ =	shalt  }
0x4f: {  	_ =	shalt  }
0x50: {  	_ =	shalt  }
0x51: {  	_ =	shalt  }
0x52: {  	_ =	shalt  }
0x53: {  	_ =	shalt  }
0x54: {  	_ =	shalt  }
0x55: {  	_ =	shalt  }
0x56: {  	_ =	shalt  }
0x57: {  	_ =	shalt  }
0x58: {  	_ =	shalt  }
0x59: {  	_ =	shalt  }
0x5a: {  	_ =	shalt  }
0x5b: {  	_ =	shalt  }
0x5c: {  	_ =	shalt  }
0x5d: {  	_ =	shalt  }
0x5e: {  	_ =	shalt  }
0x5f: {  	_ =	shalt  }
0x60: {  	_ =	shalt  }
0x61: {  	_ =	shalt  }
0x62: {  	_ =	shalt  }
0x63: {  	_ =	shalt  }
0x64: {  	_ =	shalt  }
0x65: {  	_ =	shalt  }
0x66: {  	_ =	shalt  }
0x67: {  	_ =	shalt  }
0x68: {  	_ =	shalt  }
0x69: {  	_ =	shalt  }
0x6a: {  	_ =	shalt  }
0x6b: {  	_ =	shalt  }
0x6c: {  	_ =	shalt  }
0x6d: {  	_ =	shalt  }
0x6e: {  	_ =	shalt  }
0x6f: {  	_ =	shalt  }
0x70: {  	_ =	shalt  }
0x71: {  	_ =	shalt  }
0x72: {  	_ =	shalt  }
0x73: {  	_ =	shalt  }
0x74: {  	_ =	shalt  }
0x75: {  	_ =	shalt  }
0x76: {  	_ =	shalt  }
0x77: {  	_ =	shalt  }
0x78: {  	_ =	shalt  }
0x79: {  	_ =	shalt  }
0x7a: {  	_ =	shalt  }
0x7b: {  	_ =	shalt  }
0x7c: {  	_ =	shalt  }
0x7d: {  	_ =	shalt  }
0x7e: {  	_ =	shalt  }
0x7f: {  	_ =	shalt  }
0x80: {  	_ =	shalt  }
0x81: {  	_ =	shalt  }
0x82: {  	_ =	shalt  }
0x83: {  	_ =	shalt  }
0x84: {  	_ =	shalt  }
0x85: {  	_ =	shalt  }
0x86: {  	_ =	shalt  }
0x87: {  	_ =	shalt  }
.Lfunc_end0:
.L_simem_size_0:
called_computation_lowered:
.L_overlay_start_0:
0x88: {  	s2 =	sld [smem:$0x3FD9]  }
0x89: {  	s3 =	sld [smem:$0x3FFE];
	_ =	sdelay $0x1  }
0x8a: {  	s1 =	srdreg.scid  }
0x8b: {  	s0 =	sand.u32 $0x1, s1  }
0x8c: {  	s17 =	sshll.u32 s0, $0xA;
	s2 =	sadd.s32 s3, s2  }
0x8d: {  	s2 =	sadd.s32 s2, s17  }
0x8e: {  	[smem:$0x3FC6] =	sst s2  }
0x8f: {  	_ = 	snop  }
0x90: {  	s2 =	sld [smem:$0x3FC8]  }
0x91: {  	s18 =	sld [smem:$0x3FD0];
	(tm) =	ssettm $0x1  }
0x92: {  	s4 =	sld [smem:$0x3FFB];
	_ =	sdelay $0x3  }
0x93: {  	_ =	strace s4  }
0x94: {  	s4 =	sld [smem:$0x3FFC];
	_ =	sdelay $0x3  }
0x95: {  	_ =	strace s4  }
0x96: {  	s4 =	sld [smem:$0x3FFD];
	_ =	sdelay $0x3  }
0x97: {  	_ =	strace s4  }
0x98: {  	_ =	strace $0x8FFFFFFF  }
0x99: {  	s19 =	sld [smem:$0x3FDB];
	_ =	sdelay $0x1  }
0x9a: {  	s5 =	simm.s32 $_scs_section_size  }
0x9b: {  	s6 =	simm.s32 $_size__tile_overlayer_lowered;
	s7 =	simm.s32 $_tile_overlayer_lowered  }
0x9c: {  	s22 =	simm.s32 $0x1BFF;
	s21 =	sshll.u32 s7, $0x1;
	s4 =	sadd.s32 s5, s19  }
0x9d: {  	s8 =	simm.s32 $0x0;
	s20 =	sshll.u32 s6, $0x1;
	s6 =	sadd.s32 s21, s4  }
0x9e: {  	[timem:s8], [sflag:s22] =	dma.local [hbm:s6], s20  }
0x9f: {  	_ =	swait.ge [sflag:s22], s20  }
0xa0: {  	s5 =	ssub.s32 $0x0, s20;
	[sflag:s22] =	ssyncset.done $0x0  }
0xa1: {  	[sflag:s22] =	ssyncadd.s32 s5;
	_ =	sdelay $0x1  }
0xa2: {  	s23 =	simm.s32 $0x1B8B  }
0xa3: {  	_ =	swait.ge [sflag:s23], $0x1  }
0xa4: {  	[sflag:s23] =	ssyncset.done $0x0  }
0xa5: {  	s25 =	simm.s32 $0x1B8E;
	s24 =	sld [smem:$0x3FFE];
	[sflag:s23] =	ssyncadd.s32 $0xFFFFFFFF  }
0xa6: {  	s26 =	simm.s32 $execute0_lowered;
	[smem:$0x3FD2] =	sst s25  }
0xa7: {  	s6 =	sshll.u32 s26, $0x1;
	_ =	strace $0x80000046;
	[dreg:$0x1] =	wrdreg $0xFFFFFFFF  }
0xa8: {  	s28 =	simm.s32 $_size_execute0_lowered;
	s4 =	sadd.s32 s4, s6;
	[dreg:$0x0] =	wrdreg $0x0  }
0xa9: {  	s6 =	sshll.u32 s28, $0x1;
	[dreg:$0x2] =	wrdreg s4  }
0xaa: {  	[dreg:$0x3] =	wrdreg s6  }
0xab: {  	[dreg:$0x4] =	wrdreg $0xC0  }
0xac: {  	_ =	task [dreg:s8], $0x5FFFF  }
0xad: {  	[dreg:$0x1] =	wrdreg $0xFFFFFFFF  }
0xae: {  	[dreg:$0x0] =	wrdreg $0x60  }
0xaf: {  	[dreg:$0x2] =	wrdreg s24  }
0xb0: {  	[dreg:$0x3] =	wrdreg s2  }
0xb1: {  	[dreg:$0x4] =	wrdreg s18  }
0xb2: {  	[dreg:$0x5] =	wrdreg $0x9  }
0xb3: {  	_ =	task.clear_ibuf [dreg:s8], $0x6FFFF;
	_ =	strace $0x90000046  }
0xb4: {  	s29 =	simm.s32 $0x9;
	_ =	strace $0x80000048  }
0xb5: {  	_ =	swait.ge [sflag:s29], $0x1  }
0xb6: {  	[sflag:s29] =	ssyncadd.s32 $0xFFFFFFFF  }
0xb7: {  	_ =	strace $0x90000048  }
0xb8: {  	_ =	sfence  }
0xb9: {  	s30 =	sld [smem:$0x0];
	_ =	sdelay $0x2  }
0xba: {  	s31 =	sshll.u32 s1, $0xD;
	s1 =	sshrl.u32 s1, $0x2  }
0xbb: {  	s3 =	sand.u32 $0x4000, s31;
	s1 =	sadd.s32 s1, s30  }
0xbc: {  	s0 =	sor.u32 s3, s0;
	s1 =	sshll.u32 s1, $0x11  }
0xbd: {  	s0 =	sor.u32 s1, s0  }
0xbe: {  	s0 =	sadd.s32 $0x8F2B, s0  }
0xbf: {  	[sflag:s0] =	ssyncadd.remote.s32 $0x1  }
0xc0: {  	_ =	sfence.sel $0xFFFF  }
0xc1: {  	[dreg:$0x0] =	wrdreg $0xFFFFFFFF;
	(pc) =	sbr.abs _section_cstart, $3  }
0xc2: {  	[dreg:$0x1] =	wrdreg $0xFFFFFFFF  }
0xc3: {  	_ =	task.clear_ibuf [dreg:s8], $0x2FFFF;
	_ =	strace $0x9FFFFFFF  }
0xc4: {  	(tm) =	ssettm $0x7FFFFFFF  }
0xc5: {  	_ =	shalt  }
tec
execute0_lowered:
.L_overlay_start_1:
0x0: {  	(tag) =	ssettag $0x1  }
0x1: {  	s0 =	rddreg [dreg:$0x0]  }
0x2: {  	s1 =	rddreg [dreg:$0x2]  }
0x3: {  	s2 =	srdreg.scid;
	s6 =	stileid.u32  }
0x4: {  	s3 =	simm.s32 $0x0;
	s2 =	sand.u32 $0x1, s2;
	s4 =	sshll.u32 s6, $0xD  }
0x5: {  	[smem:$0x7FF] =	sst s3;
	s6 =	sshll.u32 s6, $0x12;
	s5 =	sshll.u32 s2, $0xC  }
0x6: {  	_ =	strace $0x80000047;
	s28 =	ssub.s32 $0x2, s2;
	s4 =	sor.u32 s5, s4  }
0x7: {  	s1 =	sadd.s32 s6, s1;
	s2 =	sshll.u32 s2, $0x11;
	s4 =	sshrl.u32 s4, $0x3  }
0x8: {  	s29 =	sshrl.u32 s28, $0x1;
	s31 =	sadd.s32 s2, s1;
	s0 =	sadd.s32 s4, s0  }
0x9: {  	[dreg:$0x4] =	wrdreg s31;
	s4 =	ssub.s32 s28, s29;
	s0 =	sadd.s32 $0x400, s0  }
0xa: {  	s30 =	smax.u32 s4, $0x1;
	[dreg:$0x12] =	wrdreg s0  }
0xb: {  	s2 =	simm.s32 $0x0;
	[dreg:$0x13] =	wrdreg s30  }
.LBB2_1:
0xc: {  	[dreg:$0x14] =	wrdreg s2  }
0xd: {  	s0 =	rddreg [dreg:$0x12]  }
0xe: {  	[tilespmem:s3], [sflag:$0x2] =	stream.linear.gather [hbm4b:s0+s3], $0x1000, $0x38;
	[tilespmem:$0x3000] =	vst v63  }
0xf: {  	s30 =	rddreg [dreg:$0x1];
	s1 =	simm.s32 $0x1000;
	s31 =	simm.s32 $0x3  }
0x10: {  	[tilespmem:s1], [sflag:$0x3] =	stream.linear.gather [hbm4b:s30+s3], $0x2000, $0x38;
	[tilespmem:$0x3000] =	vst v63  }
0x11: {  	_ =	swait.ge [sflag:s31], $0x2000  }
0x12: {  	[sflag:s31] =	ssyncset.done $0x0  }
0x13: {  	s0 =	simm.s32 $0x0;
	[sflag:s31] =	ssyncadd.s32 $0xFFFFE000  }
.LBB2_2:
0x14: {  	s1 =	sshll.u32 s0, $0x8;
	s2 =	sshll.u32 s0, $0x7  }
0x15: {  	s1 =	sand.u32 $0x1800, s1;
	s2 =	sand.u32 $0x380, s2  }
0x16: {  	s31 =	simm.s32 $0x0;
	s1 =	sor.u32 s2, s1  }
0x17: {  	s4 =	sand.u32 $0x400, s31;
	s1 =	sadd.s32 $0x1000, s1  }
0x18: {  	s2 =	sand.u32 $0x70, s31;
	s4 =	sadd.s32 s4, s1  }
0x19: {  	s2 =	sadd.s32 s2, s4  }
0x1a: {  	v0 =	vld [tilespmem:s2+$0x0];
	_ =	sdelay $0x3  }
0x1b: {  	s4 =	simm.s32 $0x80  }
0x1c: {  	s6 =	simm.s32 $0x10;
	s5 =	simm.s32 $0x20;
	s7 =	sand.u32 $0x400, s4;
	v0 =	vmul.f32 $1.600000000e+01, v0  }
.LBB2_3:
0x1d: {  	p0 =	sne.s32 s5, $0xF0;
	s6 =	sand.u32 $0x70, s6;
	s7 =	sadd.s32 s7, s1  }
0x1e: {  	[tilespmem:s2+$0x0] =	vst v0;
	s2 =	sadd.s32 s6, s7;
	s6 =	smov.u32 s5  }
0x1f: {  	v0 =	vld [tilespmem:s2+$0x0]  }
.Ltmp0:
0x20: {  	(pc) =	sbr.rel @p0 .LBB2_3-.Ltmp0, $3  }
0x21: {  	_ =	sdelay $0x1  }
0x22: {  	s4 =	sadd.s32 $0x80, s4  }
0x23: {  	s7 =	sand.u32 $0x400, s4;
	s5 =	sadd.s32 $0x10, s5;
	v0 =	vmul.f32 $1.600000000e+01, v0  }
0x24: {  	s4 =	sand.u32 $0x70, s6;
	s1 =	sadd.s32 s7, s1  }
0x25: {  	s1 =	sadd.s32 s4, s1;
	[tilespmem:s2+$0x0] =	vst v0  }
0x26: {  	v0 =	vld [tilespmem:s1+$0x0]  }
0x27: {  	s0 =	sadd.s32 $0x1, s0  }
0x28: {  	p0 =	sne.s32 s0, $0x20  }
.Ltmp1:
0x29: {  	_ = 	snop;
	(pc) =	sbr.rel @p0 .LBB2_2-.Ltmp1, $3  }
0x2a: {  	_ = 	snop  }
0x2b: {  	v0 =	vmul.f32 $1.600000000e+01, v0;
	_ =	sdelay $0x1  }
0x2c: {  	[tilespmem:s1+$0x0] =	vst v0  }
0x2d: {  	s0 =	simm.s32 $0x2  }
0x2e: {  	_ =	swait.ge [sflag:s0], $0x1000  }
0x2f: {  	[sflag:s0] =	ssyncset.done $0x0  }
0x30: {  	s25 =	simm.s32 $0x0;
	[sflag:s0] =	ssyncadd.s32 $0xFFFFF000  }
0x31: {  	v0 =	vld [tilespmem:s25+$0x0];
	_ =	sdelay $0x4  }
0x32: {  	(v2sf) =	vpush v0, $0x1  }
0x33: {  	(v2sf) =	vpush v0, $0x0;
	_ =	sdelay $0x3  }
0x34: {  	(v2sf) =	vpush v0, $0x2;
	_ =	sdelay $0x1  }
0x35: {  	s26 =	rddreg [dreg:$0x4]  }
0x36: {  	s12 =	simm.s32 $0x200;
	s13 =	simm.s32 $0x10;
	s11 =	sadd.s32 $0x0, s26  }
0x37: {  	s2 =	sadd.s32 $0xB0, s11;
	s23 =	sadd.s32 $0x60, s11;
	s21 =	sadd.s32 $0xE0, s11  }
0x38: {  	s5 =	sadd.s32 $0xA0, s11;
	s4 =	sadd.s32 $0x30, s11;
	s19 =	sadd.s32 $0x180, s11  }
0x39: {  	s22 =	sadd.s32 $0x70, s11;
	s20 =	sadd.s32 $0xF0, s11;
	s0 =	sadd.s32 $0x50, s11  }
0x3a: {  	s26 =	sadd.s32 $0xD0, s11;
	s16 =	sadd.s32 $0x1A0, s11;
	s6 =	sadd.s32 $0x20, s11  }
0x3b: {  	s1 =	sadd.s32 $0xC0, s11;
	s7 =	sadd.s32 $0x90, s11;
	s14 =	sadd.s32 $0x150, s11;
	(v2sf) =	vpush v0, $0x7  }
0x3c: {  	s17 =	sadd.s32 $0x1B0, s11;
	s15 =	sadd.s32 $0x140, s11;
	s9 =	sadd.s32 $0x80, s11;
	(v2sf) =	vpush v0, $0x3  }
0x3d: {  	s10 =	sadd.s32 $0x10, s11;
	s28 =	sadd.s32 $0x100, s11;
	s8 =	spop (v2sf)  }
0x3e: {  	s30 =	sadd.s32 $0x110, s11;
	s29 =	sadd.s32 $0x190, s11;
	s18 =	spop (v2sf)  }
0x3f: {  	s24 =	sshll.u32 s8, $0x8;
	s25 =	sshll.u32 s18, $0x8;
	s18 =	sshll.u32 s18, $0x7  }
0x40: {  	(v2sf) =	vpush v0, $0x4;
	s8 =	sshll.u32 s8, $0x7;
	s25 =	sand.u32 $0xFFFFF800, s25;
	s18 =	sand.u32 $0x380, s18  }
0x41: {  	s8 =	sand.u32 $0x380, s8;
	s24 =	sand.u32 $0xFFFFF800, s24;
	s18 =	sor.u32 s18, s25  }
0x42: {  	s8 =	sor.u32 s8, s24;
	s24 =	spop (v2sf);
	s25 =	sadd.s32 $0x1000, s18  }
0x43: {  	[hbm4b:s11+s3] =	stream.linear.scatter [tilespmem:s25], [sflag:$0x1], $0x80, $0x38;
	[tilespmem:$0x3000] =	vst v63  }
0x44: {  	(v2sf) =	vpush v0, $0x8;
	s31 =	sshll.u32 s24, $0x8;
	s24 =	sshll.u32 s24, $0x7;
	s18 =	sadd.s32 $0x1400, s18  }
0x45: {  	(v2sf) =	vpush v0, $0x5;
	[hbm4b:s9+s3] =	stream.linear.scatter [tilespmem:s18], [sflag:$0x1], $0x80, $0x38;
	[tilespmem:$0x3000] =	vst v63  }
0x46: {  	s31 =	sand.u32 $0xFFFFF800, s31;
	s24 =	sand.u32 $0x380, s24;
	s25 =	sadd.s32 $0x1000, s8  }
0x47: {  	[hbm4b:s10+s3] =	stream.linear.scatter [tilespmem:s25], [sflag:$0x1], $0x80, $0x38;
	[tilespmem:$0x3000] =	vst v63  }
0x48: {  	(v2sf) =	vpush v0, $0x6;
	s8 =	sadd.s32 $0x1400, s8;
	s18 =	sadd.s32 $0x1C0, s11;
	s9 =	sor.u32 s24, s31  }
0x49: {  	[hbm4b:s7+s3] =	stream.linear.scatter [tilespmem:s8], [sflag:$0x1], $0x80, $0x38;
	[tilespmem:$0x3000] =	vst v63  }
0x4a: {  	s24 =	sadd.s32 $0x130, s11;
	s31 =	sadd.s32 $0x1000, s9;
	s8 =	spop (v2sf)  }
0x4b: {  	s9 =	sadd.s32 $0x1400, s9;
	s25 =	sadd.s32 $0x120, s11;
	s10 =	spop (v2sf)  }
0x4c: {  	[hbm4b:s6+s3] =	stream.linear.scatter [tilespmem:s31], [sflag:$0x1], $0x80, $0x38;
	[tilespmem:$0x3000] =	vst v63  }
0x4d: {  	s7 =	sadd.s32 $0x40, s11;
	s31 =	sshll.u32 s10, $0x8;
	s6 =	sshll.u32 s10, $0x7  }
0x4e: {  	[hbm4b:s5+s3] =	stream.linear.scatter [tilespmem:s9], [sflag:$0x1], $0x80, $0x38;
	[tilespmem:$0x3000] =	vst v63  }
0x4f: {  	s6 =	sand.u32 $0x380, s6;
	s10 =	sand.u32 $0xFFFFF800, s31;
	s9 =	spop (v2sf)  }
0x50: {  	(v2sf) =	vpush v0, $0x9;
	s6 =	sor.u32 s6, s10;
	s31 =	sshll.u32 s9, $0x8;
	s5 =	sshll.u32 s9, $0x7  }
0x51: {  	(v2sf) =	vpush v0, $0xA;
	s9 =	sand.u32 $0xFFFFF800, s31;
	s5 =	sand.u32 $0x380, s5;
	s31 =	sadd.s32 $0x1000, s6  }
0x52: {  	[hbm4b:s4+s3] =	stream.linear.scatter [tilespmem:s31], [sflag:$0x1], $0x80, $0x38;
	[tilespmem:$0x3000] =	vst v63  }
0x53: {  	s6 =	sadd.s32 $0x1400, s6;
	s4 =	spop (v2sf);
	s5 =	sor.u32 s5, s9  }
0x54: {  	s31 =	spop (v2sf);
	s9 =	sadd.s32 $0x1000, s5;
	s5 =	sadd.s32 $0x1400, s5  }
0x55: {  	[hbm4b:s2+s3] =	stream.linear.scatter [tilespmem:s6], [sflag:$0x1], $0x80, $0x38;
	[tilespmem:$0x3000] =	vst v63  }
0x56: {  	s6 =	sshll.u32 s8, $0x8;
	s10 =	sshll.u32 s31, $0x8;
	s2 =	sshll.u32 s31, $0x7  }
0x57: {  	s31 =	spop (v2sf);
	s2 =	sand.u32 $0x380, s2;
	s6 =	sand.u32 $0xFFFFF800, s6  }
0x58: {  	[hbm4b:s7+s3] =	stream.linear.scatter [tilespmem:s9], [sflag:$0x1], $0x80, $0x38;
	[tilespmem:$0x3000] =	vst v63  }
0x59: {  	s9 =	sshll.u32 s8, $0x7;
	s7 =	sand.u32 $0xFFFFF800, s10;
	s10 =	sshll.u32 s31, $0x7  }
0x5a: {  	s2 =	sor.u32 s2, s7;
	s7 =	sshll.u32 s31, $0x8;
	s31 =	sshll.u32 s4, $0x8  }
0x5b: {  	[hbm4b:s1+s3] =	stream.linear.scatter [tilespmem:s5], [sflag:$0x1], $0x80, $0x38;
	[tilespmem:$0x3000] =	vst v63  }
0x5c: {  	s8 =	sadd.s32 $0x1400, s2;
	s1 =	sand.u32 $0xFFFFF800, s7;
	s5 =	sand.u32 $0x380, s10  }
0x5d: {  	s2 =	sadd.s32 $0x1000, s2;
	s10 =	sand.u32 $0x380, s9;
	s7 =	sor.u32 s5, s1  }
0x5e: {  	[hbm4b:s0+s3] =	stream.linear.scatter [tilespmem:s2], [sflag:$0x1], $0x80, $0x38;
	[tilespmem:$0x3000] =	vst v63  }
0x5f: {  	s5 =	sand.u32 $0xFFFFF800, s31;
	s1 =	sshll.u32 s4, $0x7;
	s31 =	spop (v2sf)  }
0x60: {  	(v2sf) =	vpush v0, $0xB;
	s2 =	sshll.u32 s31, $0x8;
	s9 =	sshll.u32 s31, $0x7;
	s31 =	spop (v2sf)  }
0x61: {  	(v2sf) =	vpush v0, $0xC;
	s0 =	sand.u32 $0xFFFFF800, s2;
	s2 =	sand.u32 $0x380, s9;
	s9 =	sand.u32 $0x380, s1  }
0x62: {  	(v2sf) =	vpush v0, $0xD;
	s4 =	sshll.u32 s31, $0x7;
	s1 =	sor.u32 s2, s0;
	s2 =	sshll.u32 s31, $0x8  }
.LBB2_6:
0x63: {  	_ = 	snop  }
0x64: {  	[hbm4b:s26+s3] =	stream.linear.scatter [tilespmem:s8], [sflag:$0x1], $0x80, $0x38;
	[tilespmem:$0x3000] =	vst v63  }
0x65: {  	s26 =	sadd.s32 $0x1000, s7  }
0x66: {  	[hbm4b:s23+s3] =	stream.linear.scatter [tilespmem:s26], [sflag:$0x1], $0x80, $0x38;
	[tilespmem:$0x3000] =	vst v63  }
0x67: {  	s6 =	sor.u32 s10, s6;
	s23 =	sadd.s32 $0x1400, s7  }
0x68: {  	[hbm4b:s21+s3] =	stream.linear.scatter [tilespmem:s23], [sflag:$0x1], $0x80, $0x38;
	[tilespmem:$0x3000] =	vst v63  }
0x69: {  	s0 =	sand.u32 $0xFFFFF800, s2;
	s10 =	sadd.s32 $0x1000, s6  }
0x6a: {  	[hbm4b:s22+s3] =	stream.linear.scatter [tilespmem:s10], [sflag:$0x1], $0x80, $0x38;
	[tilespmem:$0x3000] =	vst v63  }
0x6b: {  	s2 =	sand.u32 $0x380, s4;
	s5 =	sor.u32 s9, s5;
	s6 =	sadd.s32 $0x1400, s6  }
0x6c: {  	[hbm4b:s20+s3] =	stream.linear.scatter [tilespmem:s6], [sflag:$0x1], $0x80, $0x38;
	[tilespmem:$0x3000] =	vst v63  }
0x6d: {  	s0 =	sor.u32 s2, s0;
	s23 =	sadd.s32 $0x1000, s5;
	s5 =	sadd.s32 $0x1400, s5  }
0x6e: {  	[hbm4b:s28+s3] =	stream.linear.scatter [tilespmem:s23], [sflag:$0x1], $0x80, $0x38;
	[tilespmem:$0x3000] =	vst v63  }
0x6f: {  	s10 =	sadd.s32 $0x1000, s1;
	s22 =	sadd.s32 $0x1000, s0;
	s4 =	spop (v2sf)  }
0x70: {  	[hbm4b:s19+s3] =	stream.linear.scatter [tilespmem:s5], [sflag:$0x1], $0x80, $0x38;
	[tilespmem:$0x3000] =	vst v63  }
0x71: {  	s0 =	sadd.s32 $0x1400, s0;
	s20 =	sadd.s32 $0x1400, s1;
	(v2sf) =	vpush v0, $0xE;
	s31 =	sshll.u32 s4, $0x8  }
0x72: {  	s4 =	sshll.u32 s4, $0x7;
	s21 =	spop (v2sf);
	s31 =	sand.u32 $0xFFFFF800, s31  }
0x73: {  	[hbm4b:s30+s3] =	stream.linear.scatter [tilespmem:s10], [sflag:$0x1], $0x80, $0x38;
	[tilespmem:$0x3000] =	vst v63  }
0x74: {  	(v2sf) =	vpush v0, $0xF;
	s4 =	sand.u32 $0x380, s4;
	s26 =	sshll.u32 s21, $0x8;
	s19 =	spop (v2sf)  }
0x75: {  	[hbm4b:s29+s3] =	stream.linear.scatter [tilespmem:s20], [sflag:$0x1], $0x80, $0x38;
	[tilespmem:$0x3000] =	vst v63  }
0x76: {  	s4 =	sor.u32 s4, s31;
	s31 =	sshll.u32 s21, $0x7;
	s7 =	sand.u32 $0xFFFFF800, s26  }
0x77: {  	[hbm4b:s25+s3] =	stream.linear.scatter [tilespmem:s22], [sflag:$0x1], $0x80, $0x38;
	[tilespmem:$0x3000] =	vst v63  }
0x78: {  	s21 =	sshll.u32 s19, $0x8;
	s23 =	sshll.u32 s19, $0x7;
	s9 =	sand.u32 $0x380, s31  }
0x79: {  	[hbm4b:s16+s3] =	stream.linear.scatter [tilespmem:s0], [sflag:$0x1], $0x80, $0x38;
	[tilespmem:$0x3000] =	vst v63  }
0x7a: {  	s2 =	sand.u32 $0xFFFFF800, s21;
	s31 =	sadd.s32 $0x1000, s4;
	s6 =	sor.u32 s9, s7  }
0x7b: {  	[hbm4b:s24+s3] =	stream.linear.scatter [tilespmem:s31], [sflag:$0x1], $0x80, $0x38;
	[tilespmem:$0x3000] =	vst v63  }
0x7c: {  	s8 =	sadd.s32 $0x1400, s4;
	s25 =	sand.u32 $0x380, s23;
	s10 =	sadd.s32 $0x1000, s6  }
0x7d: {  	[hbm4b:s17+s3] =	stream.linear.scatter [tilespmem:s8], [sflag:$0x1], $0x80, $0x38;
	[tilespmem:$0x3000] =	vst v63  }
0x7e: {  	s22 =	sadd.s32 $0x1D0, s11;
	s23 =	sadd.s32 $0x160, s11;
	s1 =	sor.u32 s25, s2  }
0x7f: {  	[hbm4b:s15+s3] =	stream.linear.scatter [tilespmem:s10], [sflag:$0x1], $0x80, $0x38;
	[tilespmem:$0x3000] =	vst v63  }
0x80: {  	s20 =	sadd.s32 $0x1000, s1;
	s21 =	sadd.s32 $0x1400, s1;
	s26 =	spop (v2sf)  }
0x81: {  	s17 =	sadd.s32 $0x1400, s6;
	s7 =	sshll.u32 s26, $0x8;
	s9 =	sshll.u32 s26, $0x7  }
0x82: {  	[hbm4b:s18+s3] =	stream.linear.scatter [tilespmem:s17], [sflag:$0x1], $0x80, $0x38;
	[tilespmem:$0x3000] =	vst v63  }
0x83: {  	s16 =	spop (v2sf);
	s2 =	sand.u32 $0xFFFFF800, s7;
	s4 =	sand.u32 $0x380, s9  }
0x84: {  	[hbm4b:s14+s3] =	stream.linear.scatter [tilespmem:s20], [sflag:$0x1], $0x80, $0x38;
	[tilespmem:$0x3000] =	vst v63  }
0x85: {  	s19 =	sshll.u32 s16, $0x8;
	s5 =	sshll.u32 s16, $0x7;
	s2 =	sor.u32 s4, s2  }
0x86: {  	[hbm4b:s22+s3] =	stream.linear.scatter [tilespmem:s21], [sflag:$0x1], $0x80, $0x38;
	[tilespmem:$0x3000] =	vst v63  }
0x87: {  	s4 =	sand.u32 $0xFFFFF800, s19;
	s5 =	sand.u32 $0x380, s5;
	s24 =	sadd.s32 $0x1000, s2  }
0x88: {  	[hbm4b:s23+s3] =	stream.linear.scatter [tilespmem:s24], [sflag:$0x1], $0x80, $0x38;
	[tilespmem:$0x3000] =	vst v63  }
0x89: {  	s31 =	sadd.s32 $0x1E0, s11;
	s4 =	sor.u32 s5, s4;
	s26 =	sadd.s32 $0x1400, s2  }
0x8a: {  	[hbm4b:s31+s3] =	stream.linear.scatter [tilespmem:s26], [sflag:$0x1], $0x80, $0x38;
	[tilespmem:$0x3000] =	vst v63  }
0x8b: {  	s2 =	sadd.s32 $0x170, s11;
	s5 =	sadd.s32 $0x1000, s4  }
0x8c: {  	[hbm4b:s2+s3] =	stream.linear.scatter [tilespmem:s5], [sflag:$0x1], $0x80, $0x38;
	[tilespmem:$0x3000] =	vst v63  }
0x8d: {  	s7 =	sadd.s32 $0x1F0, s11;
	s6 =	sadd.s32 $0x1400, s4  }
0x8e: {  	[hbm4b:s7+s3] =	stream.linear.scatter [tilespmem:s6], [sflag:$0x1], $0x80, $0x38;
	[tilespmem:$0x3000] =	vst v63  }
0x8f: {  	v0 =	vld [tilespmem:s13+$0x0];
	_ =	sdelay $0x1  }
0x90: {  	s25 =	rddreg [dreg:$0x4]  }
0x91: {  	s11 =	sadd.s32 s12, s25  }
0x92: {  	s0 =	sadd.s32 $0xB0, s11  }
0x93: {  	s8 =	sadd.s32 $0x60, s11;
	[dreg:$0x5] =	wrdreg s0;
	(v2sf) =	vpush v0, $0x1  }
0x94: {  	s9 =	sadd.s32 $0xE0, s11;
	[dreg:$0xe] =	wrdreg s8;
	(v2sf) =	vpush v0, $0x0  }
0x95: {  	s10 =	sadd.s32 $0xA0, s11;
	[dreg:$0xa] =	wrdreg s9  }
0x96: {  	s14 =	sadd.s32 $0x30, s11;
	[dreg:$0xb] =	wrdreg s10;
	(v2sf) =	vpush v0, $0x2  }
0x97: {  	s15 =	sadd.s32 $0x180, s11;
	[dreg:$0x7] =	wrdreg s14;
	(v2sf) =	vpush v0, $0x7  }
0x98: {  	s16 =	sadd.s32 $0x50, s11;
	[dreg:$0x11] =	wrdreg s15  }
0x99: {  	p0 =	sne.s32 s12, $0x1FE00;
	s17 =	sadd.s32 $0x1A0, s11;
	[dreg:$0x6] =	wrdreg s16;
	(v2sf) =	vpush v0, $0x3  }
0x9a: {  	s12 =	sadd.s32 $0x200, s12;
	s18 =	sadd.s32 $0x20, s11;
	[dreg:$0x8] =	wrdreg s17  }
0x9b: {  	s19 =	sadd.s32 $0xC0, s11;
	s20 =	sadd.s32 $0x150, s11;
	[dreg:$0x10] =	wrdreg s18;
	(v2sf) =	vpush v0, $0x4  }
0x9c: {  	s4 =	sadd.s32 $0x1B0, s11;
	s21 =	sadd.s32 $0x140, s11;
	[dreg:$0x9] =	wrdreg s19  }
0x9d: {  	s22 =	sadd.s32 $0x40, s11;
	s25 =	sadd.s32 $0x120, s11;
	[dreg:$0xd] =	wrdreg s20  }
0x9e: {  	s28 =	sadd.s32 $0x100, s11;
	s30 =	sadd.s32 $0x110, s11;
	[dreg:$0xc] =	wrdreg s21  }
0x9f: {  	s29 =	sadd.s32 $0x190, s11;
	[dreg:$0xf] =	wrdreg s22;
	s14 =	sadd.s32 $0x80, s11;
	(v2sf) =	vpush v0, $0x8  }
0xa0: {  	s8 =	sadd.s32 $0x10, s11;
	s24 =	sadd.s32 $0x130, s11;
	s26 =	sadd.s32 $0xD0, s11;
	(v2sf) =	vpush v0, $0x5  }
0xa1: {  	s5 =	sadd.s32 $0xF0, s11;
	s2 =	sadd.s32 $0x1C0, s11;
	s6 =	sadd.s32 $0x70, s11  }
0xa2: {  	s7 =	sadd.s32 $0x90, s11;
	s13 =	sadd.s32 $0x10, s13;
	s23 =	spop (v2sf)  }
0xa3: {  	(v2sf) =	vpush v0, $0x6;
	s31 =	sshll.u32 s23, $0x8;
	s9 =	sshll.u32 s23, $0x7;
	s0 =	spop (v2sf)  }
0xa4: {  	s1 =	sshll.u32 s0, $0x8;
	s15 =	sshll.u32 s0, $0x7;
	s9 =	sand.u32 $0x380, s9  }
0xa5: {  	s10 =	sand.u32 $0xFFFFF800, s31;
	s17 =	spop (v2sf);
	s16 =	sand.u32 $0xFFFFF800, s1  }
0xa6: {  	s15 =	sand.u32 $0x380, s15;
	s19 =	sshll.u32 s17, $0x8;
	s20 =	spop (v2sf)  }
0xa7: {  	s21 =	sshll.u32 s17, $0x7;
	s15 =	sor.u32 s15, s16;
	s16 =	sor.u32 s9, s10  }
0xa8: {  	s9 =	sshll.u32 s20, $0x8;
	s22 =	spop (v2sf);
	s10 =	sshll.u32 s20, $0x7  }
0xa9: {  	s17 =	sand.u32 $0xFFFFF800, s19;
	s19 =	sand.u32 $0x380, s21;
	s18 =	sadd.s32 $0x1000, s15  }
0xaa: {  	s15 =	sadd.s32 $0x1400, s15;
	s23 =	spop (v2sf);
	s31 =	sshll.u32 s22, $0x8  }
0xab: {  	s0 =	sshll.u32 s22, $0x7;
	s1 =	sadd.s32 $0x1000, s16;
	s17 =	sor.u32 s19, s17  }
0xac: {  	[hbm4b:s11+s3] =	stream.linear.scatter [tilespmem:s18], [sflag:$0x1], $0x80, $0x38;
	[tilespmem:$0x3000] =	vst v63  }
0xad: {  	s16 =	sadd.s32 $0x1400, s16;
	s10 =	sand.u32 $0x380, s10;
	s20 =	sshll.u32 s23, $0x8  }
0xae: {  	s21 =	spop (v2sf);
	s0 =	sand.u32 $0x380, s0;
	s18 =	sshll.u32 s23, $0x7  }
0xaf: {  	s31 =	sand.u32 $0xFFFFF800, s31;
	s22 =	spop (v2sf);
	s20 =	sand.u32 $0xFFFFF800, s20  }
0xb0: {  	s18 =	sand.u32 $0x380, s18;
	s0 =	sor.u32 s0, s31;
	s19 =	sshll.u32 s22, $0x8  }
0xb1: {  	[hbm4b:s14+s3] =	stream.linear.scatter [tilespmem:s15], [sflag:$0x1], $0x80, $0x38;
	[tilespmem:$0x3000] =	vst v63  }
0xb2: {  	(v2sf) =	vpush v0, $0x9;
	s23 =	spop (v2sf);
	s22 =	sshll.u32 s22, $0x7;
	s14 =	sor.u32 s18, s20  }
0xb3: {  	s20 =	smov.u32 s5;
	s18 =	sand.u32 $0xFFFFF800, s19;
	s19 =	rddreg [dreg:$0x11]  }
0xb4: {  	s5 =	sand.u32 $0x380, s22;
	s22 =	smov.u32 s6;
	s6 =	sshll.u32 s23, $0x7  }
0xb5: {  	[hbm4b:s8+s3] =	stream.linear.scatter [tilespmem:s1], [sflag:$0x1], $0x80, $0x38;
	[tilespmem:$0x3000] =	vst v63  }
0xb6: {  	s15 =	sor.u32 s5, s18;
	s5 =	sshll.u32 s23, $0x8;
	s23 =	rddreg [dreg:$0xe]  }
0xb7: {  	s31 =	sadd.s32 $0x1400, s17;
	s18 =	sand.u32 $0x380, s6;
	s6 =	rddreg [dreg:$0x10]  }
0xb8: {  	s1 =	sand.u32 $0xFFFFF800, s5;
	s5 =	sadd.s32 $0x1000, s17;
	s17 =	smov.u32 s4  }
0xb9: {  	(v2sf) =	vpush v0, $0xA;
	[hbm4b:s7+s3] =	stream.linear.scatter [tilespmem:s16], [sflag:$0x1], $0x80, $0x38;
	[tilespmem:$0x3000] =	vst v63  }
0xba: {  	s4 =	sshll.u32 s21, $0x8;
	s16 =	sadd.s32 $0x1000, s0;
	s7 =	sor.u32 s18, s1  }
0xbb: {  	[hbm4b:s6+s3] =	stream.linear.scatter [tilespmem:s5], [sflag:$0x1], $0x80, $0x38;
	[tilespmem:$0x3000] =	vst v63  }
0xbc: {  	s18 =	smov.u32 s2;
	s0 =	sadd.s32 $0x1400, s0;
	s6 =	rddreg [dreg:$0xb]  }
0xbd: {  	s2 =	sadd.s32 $0x1400, s14;
	s5 =	sand.u32 $0xFFFFF800, s4;
	s4 =	rddreg [dreg:$0x7]  }
0xbe: {  	[hbm4b:s6+s3] =	stream.linear.scatter [tilespmem:s31], [sflag:$0x1], $0x80, $0x38;
	[tilespmem:$0x3000] =	vst v63  }
0xbf: {  	s6 =	sand.u32 $0xFFFFF800, s9;
	s9 =	sshll.u32 s21, $0x7;
	s21 =	rddreg [dreg:$0xa]  }
0xc0: {  	[hbm4b:s4+s3] =	stream.linear.scatter [tilespmem:s16], [sflag:$0x1], $0x80, $0x38;
	[tilespmem:$0x3000] =	vst v63  }
0xc1: {  	s4 =	sadd.s32 $0x1000, s14;
	s14 =	rddreg [dreg:$0xd];
	s31 =	spop (v2sf)  }
0xc2: {  	s16 =	sshll.u32 s31, $0x8;
	s1 =	sshll.u32 s31, $0x7;
	s31 =	rddreg [dreg:$0x5]  }
0xc3: {  	[hbm4b:s31+s3] =	stream.linear.scatter [tilespmem:s0], [sflag:$0x1], $0x80, $0x38;
	[tilespmem:$0x3000] =	vst v63  }
0xc4: {  	s8 =	sadd.s32 $0x1400, s15;
	s16 =	sand.u32 $0xFFFFF800, s16;
	s31 =	rddreg [dreg:$0xf]  }
0xc5: {  	s1 =	sand.u32 $0x380, s1;
	s0 =	sadd.s32 $0x1000, s15;
	s15 =	rddreg [dreg:$0xc]  }
0xc6: {  	[hbm4b:s31+s3] =	stream.linear.scatter [tilespmem:s4], [sflag:$0x1], $0x80, $0x38;
	[tilespmem:$0x3000] =	vst v63  }
.Ltmp2:
0xc7: {  	s1 =	sor.u32 s1, s16;
	s16 =	rddreg [dreg:$0x8];
	(pc) =	sbr.rel @p0 .LBB2_6-.Ltmp2, $4  }
0xc8: {  	s9 =	sand.u32 $0x380, s9;
	s4 =	spop (v2sf);
	s31 =	rddreg [dreg:$0x9]  }
0xc9: {  	(v2sf) =	vpush v0, $0xB;
	[hbm4b:s31+s3] =	stream.linear.scatter [tilespmem:s2], [sflag:$0x1], $0x80, $0x38;
	[tilespmem:$0x3000] =	vst v63  }
0xca: {  	(v2sf) =	vpush v0, $0xC;
	s2 =	sshll.u32 s4, $0x8;
	s4 =	sshll.u32 s4, $0x7;
	s31 =	rddreg [dreg:$0x6]  }
0xcb: {  	(v2sf) =	vpush v0, $0xD;
	[hbm4b:s31+s3] =	stream.linear.scatter [tilespmem:s0], [sflag:$0x1], $0x80, $0x38;
	[tilespmem:$0x3000] =	vst v63  }
0xcc: {  	[hbm4b:s26+s3] =	stream.linear.scatter [tilespmem:s8], [sflag:$0x1], $0x80, $0x38;
	[tilespmem:$0x3000] =	vst v63  }
0xcd: {  	s0 =	sadd.s32 $0x1000, s7  }
0xce: {  	[hbm4b:s23+s3] =	stream.linear.scatter [tilespmem:s0], [sflag:$0x1], $0x80, $0x38;
	[tilespmem:$0x3000] =	vst v63  }
0xcf: {  	s26 =	sor.u32 s10, s6;
	s23 =	sadd.s32 $0x1400, s7  }
0xd0: {  	[hbm4b:s21+s3] =	stream.linear.scatter [tilespmem:s23], [sflag:$0x1], $0x80, $0x38;
	[tilespmem:$0x3000] =	vst v63  }
0xd1: {  	s6 =	sadd.s32 $0x1000, s26  }
0xd2: {  	[hbm4b:s22+s3] =	stream.linear.scatter [tilespmem:s6], [sflag:$0x1], $0x80, $0x38;
	[tilespmem:$0x3000] =	vst v63  }
0xd3: {  	s31 =	sor.u32 s9, s5;
	s0 =	sadd.s32 $0x1400, s26  }
0xd4: {  	[hbm4b:s20+s3] =	stream.linear.scatter [tilespmem:s0], [sflag:$0x1], $0x80, $0x38;
	[tilespmem:$0x3000] =	vst v63  }
0xd5: {  	s5 =	sadd.s32 $0x1000, s31  }
0xd6: {  	[hbm4b:s28+s3] =	stream.linear.scatter [tilespmem:s5], [sflag:$0x1], $0x80, $0x38;
	[tilespmem:$0x3000] =	vst v63  }
0xd7: {  	s0 =	sadd.s32 $0x1400, s31  }
0xd8: {  	[hbm4b:s19+s3] =	stream.linear.scatter [tilespmem:s0], [sflag:$0x1], $0x80, $0x38;
	[tilespmem:$0x3000] =	vst v63  }
0xd9: {  	s8 =	sand.u32 $0x380, s4;
	s7 =	sand.u32 $0xFFFFF800, s2;
	s5 =	sadd.s32 $0x1000, s1  }
0xda: {  	[hbm4b:s30+s3] =	stream.linear.scatter [tilespmem:s5], [sflag:$0x1], $0x80, $0x38;
	[tilespmem:$0x3000] =	vst v63  }
0xdb: {  	s6 =	sadd.s32 $0x1400, s1;
	s0 =	sor.u32 s8, s7  }
0xdc: {  	[hbm4b:s29+s3] =	stream.linear.scatter [tilespmem:s6], [sflag:$0x1], $0x80, $0x38;
	[tilespmem:$0x3000] =	vst v63  }
0xdd: {  	s1 =	sadd.s32 $0x1000, s0  }
0xde: {  	[hbm4b:s25+s3] =	stream.linear.scatter [tilespmem:s1], [sflag:$0x1], $0x80, $0x38;
	[tilespmem:$0x3000] =	vst v63  }
0xdf: {  	s9 =	spop (v2sf);
	s0 =	sadd.s32 $0x1400, s0  }
0xe0: {  	[hbm4b:s16+s3] =	stream.linear.scatter [tilespmem:s0], [sflag:$0x1], $0x80, $0x38;
	[tilespmem:$0x3000] =	vst v63  }
0xe1: {  	s10 =	sshll.u32 s9, $0x8;
	s0 =	sshll.u32 s9, $0x7  }
0xe2: {  	s1 =	sand.u32 $0xFFFFF800, s10;
	s0 =	sand.u32 $0x380, s0  }
0xe3: {  	(v2sf) =	vpush v0, $0xE;
	s0 =	sor.u32 s0, s1  }
0xe4: {  	s12 =	spop (v2sf);
	s1 =	sadd.s32 $0x1000, s0  }
0xe5: {  	(v2sf) =	vpush v0, $0xF;
	[hbm4b:s24+s3] =	stream.linear.scatter [tilespmem:s1], [sflag:$0x1], $0x80, $0x38;
	[tilespmem:$0x3000] =	vst v63  }
0xe6: {  	s0 =	sadd.s32 $0x1400, s0  }
0xe7: {  	[hbm4b:s17+s3] =	stream.linear.scatter [tilespmem:s0], [sflag:$0x1], $0x80, $0x38;
	[tilespmem:$0x3000] =	vst v63  }
0xe8: {  	s13 =	sshll.u32 s12, $0x8;
	s0 =	sshll.u32 s12, $0x7  }
0xe9: {  	s1 =	sand.u32 $0xFFFFF800, s13;
	s0 =	sand.u32 $0x380, s0  }
0xea: {  	s0 =	sor.u32 s0, s1  }
0xeb: {  	s1 =	sadd.s32 $0x1000, s0  }
0xec: {  	[hbm4b:s15+s3] =	stream.linear.scatter [tilespmem:s1], [sflag:$0x1], $0x80, $0x38;
	[tilespmem:$0x3000] =	vst v63  }
0xed: {  	s0 =	sadd.s32 $0x1400, s0;
	s15 =	spop (v2sf)  }
0xee: {  	[hbm4b:s18+s3] =	stream.linear.scatter [tilespmem:s0], [sflag:$0x1], $0x80, $0x38;
	[tilespmem:$0x3000] =	vst v63  }
0xef: {  	s16 =	sshll.u32 s15, $0x8;
	s0 =	sshll.u32 s15, $0x7  }
0xf0: {  	s1 =	sand.u32 $0xFFFFF800, s16;
	s0 =	sand.u32 $0x380, s0  }
0xf1: {  	s20 =	sadd.s32 $0x160, s11;
	s0 =	sor.u32 s0, s1  }
0xf2: {  	s19 =	sadd.s32 $0x1D0, s11;
	s17 =	spop (v2sf);
	s1 =	sadd.s32 $0x1000, s0  }
0xf3: {  	[hbm4b:s14+s3] =	stream.linear.scatter [tilespmem:s1], [sflag:$0x1], $0x80, $0x38;
	[tilespmem:$0x3000] =	vst v63  }
0xf4: {  	s18 =	sshll.u32 s17, $0x8;
	s22 =	spop (v2sf);
	s1 =	sshll.u32 s17, $0x7  }
0xf5: {  	s2 =	sand.u32 $0xFFFFF800, s18;
	s0 =	sadd.s32 $0x1400, s0;
	s1 =	sand.u32 $0x380, s1  }
0xf6: {  	[hbm4b:s19+s3] =	stream.linear.scatter [tilespmem:s0], [sflag:$0x1], $0x80, $0x38;
	[tilespmem:$0x3000] =	vst v63  }
0xf7: {  	s23 =	sshll.u32 s22, $0x8;
	s1 =	sor.u32 s1, s2;
	s0 =	sshll.u32 s22, $0x7  }
0xf8: {  	s2 =	sand.u32 $0xFFFFF800, s23;
	s21 =	sadd.s32 $0x1000, s1;
	s0 =	sand.u32 $0x380, s0  }
0xf9: {  	[hbm4b:s20+s3] =	stream.linear.scatter [tilespmem:s21], [sflag:$0x1], $0x80, $0x38;
	[tilespmem:$0x3000] =	vst v63  }
0xfa: {  	s24 =	sadd.s32 $0x1E0, s11;
	s1 =	sadd.s32 $0x1400, s1;
	s0 =	sor.u32 s0, s2  }
0xfb: {  	[hbm4b:s24+s3] =	stream.linear.scatter [tilespmem:s1], [sflag:$0x1], $0x80, $0x38;
	[tilespmem:$0x3000] =	vst v63  }
0xfc: {  	s25 =	sadd.s32 $0x170, s11;
	s26 =	sadd.s32 $0x1000, s0  }
0xfd: {  	[hbm4b:s25+s3] =	stream.linear.scatter [tilespmem:s26], [sflag:$0x1], $0x80, $0x38;
	[tilespmem:$0x3000] =	vst v63  }
0xfe: {  	s28 =	sadd.s32 $0x1F0, s11;
	s29 =	simm.s32 $0x1;
	s0 =	sadd.s32 $0x1400, s0  }
0xff: {  	[hbm4b:s28+s3] =	stream.linear.scatter [tilespmem:s0], [sflag:$0x1], $0x80, $0x38;
	[tilespmem:$0x3000] =	vst v63  }
0x100: {  	_ =	swait.ge [sflag:s29], $0x20000  }
0x101: {  	s30 =	rddreg [dreg:$0x14]  }
0x102: {  	s31 =	rddreg [dreg:$0x13];
	s2 =	sadd.s32 $0x1, s30  }
0x103: {  	p0 =	sne.s32 s2, s31  }
.Ltmp3:
0x104: {  	_ = 	snop;
	(pc) =	sbr.rel @p0 .LBB2_1-.Ltmp3, $3  }
0x105: {  	_ =	sdelay $0x1  }
0x106: {  	[sflag:s29] =	ssyncset.done $0x0  }
0x107: {  	[sflag:s29] =	ssyncadd.s32 $0xFFFE0000  }
0x108: {  	_ =	sfence.sel $0x180000  }
0x109: {  	[bflag:$0x0] =	sbarrier.arrive $0xFFFF  }
0x10a: {  	_ =	strace $0x90000047  }
0x10b: {  	s0 =	stileid.u32;
	[bflag:$0x2] =	sbarrier.arrive $0xFFFF  }
0x10c: {  	p0 =	sne.s32 s0, $0x0;
	s0 =	rddreg [dreg:$0x3]  }
0x10d: {  	s0 =	sadd.s32 @!p0 $0x100000, s0  }
0x10e: {  	[sflag:s0] =	ssyncadd.tile.s32 @!p0 $0x1;
	_ =	shalt  }
.Lfunc_end2:
_tile_overlayer_lowered:
.L_overlay_start_2:
0x10f: {  	(tag) =	ssettag $0x2  }
0x110: {  	s0 =	rddreg [dreg:$0x0];
	s2 =	stileid.u32  }
0x111: {  	s1 =	rddreg [dreg:$0x1];
	p0 =	sne.s32 s2, $0x0  }
0x112: {  	s3 =	rddreg [dreg:$0x2];
	[bflag:$0x3] =	sbarrier.arrive $0xFFFF;
	s2 =	simm.s32 @!p0 $0x1C03  }
0x113: {  	[timem:s3], [sflag:s2] =	dma.local @!p0 [hbm:s0], s1  }
0x114: {  	s0 =	simm.s32 @!p0 $0x3  }
0x115: {  	_ =	swait.ge @!p0 [sflag:s0], s1  }
0x116: {  	s1 =	ssub.s32 @!p0 $0x0, s1;
	[sflag:s0] =	ssyncset.done @!p0 $0x0  }
0x117: {  	[sflag:s0] =	ssyncadd.s32 @!p0 s1  }
0x118: {  	[bflag:$0x3] =	sbarrier.arrive $0xFFFF  }
0x119: {  	_ =	shalt  }

</sc_bundles>
